<compile_context>
chip_gen: v7x
topology: tpu7x:2x2x1
jax: 0.10.2.dev20260603
libtpu: 0.0.44.dev20260713+nightly
codegen_flags: <defaults>
</compile_context>

<pallas_src>
import jax
import jax.numpy as jnp
import numpy as np
from jax.experimental import pallas as pl
from jax.experimental.pallas import tpu as pltpu
import jax.experimental.pallas.tpu_sc as plsc

_N_HEAD = 16
_L = 16
_IMIN = np.int32(-(2 ** 31))
_IMAX = np.int32(2 ** 31 - 1)
_NCH = 2048 // _L
_NSC = 2048


def _proj_kernel(w_ref, ac_ref, emb_ref, a12_ref):
    h = jax.lax.dot_general(emb_ref[0].astype(jnp.bfloat16), w_ref[...],
                            (((1,), (1,)), ((), ())),
                            preferred_element_type=jnp.float32)
    a12_ref[0] = jax.lax.dot_general(h.astype(jnp.bfloat16), ac_ref[...],
                                     (((1,), (0,)), ((), ())),
                                     preferred_element_type=jnp.float32)


def _xsum(red_ref, v):
    for sh in (1, 2, 4, 8):
        red_ref[pl.ds(0, _L)] = v
        red_ref[pl.ds(_L, _L)] = v
        v = v + red_ref[pl.ds(sh, _L)]
    return v


def _xmax(red_ref, v):
    for sh in (1, 2, 4, 8):
        red_ref[pl.ds(0, _L)] = v
        red_ref[pl.ds(_L, _L)] = v
        v = jnp.maximum(v, red_ref[pl.ds(sh, _L)])
    return v


def _rank_sc_body(scal_ref, a2v_ref, out_ref, buf_ref, keys_ref, cm_ref,
                  red_ref, sv_ref, acc_ref, ls_ref, sem):
    c = jax.lax.axis_index("c")
    s = jax.lax.axis_index("s")
    b = c * 16 + s

    batches = a2v_ref.shape[0]
    @pl.when(b < batches)
    def _():
        cp = pltpu.make_async_copy(scal_ref, sv_ref, sem)
        cp.start()
        cp.wait()
        cp2 = pltpu.make_async_copy(a2v_ref.at[b], buf_ref, sem)
        cp2.start()
        cp2.wait()
        lane = jax.lax.iota(jnp.int32, _L)
        sv = sv_ref[pl.ds(0, _L)]
        ns = _xmax(red_ref, jnp.where(lane == b, sv, _IMIN))
        nt = _xmax(red_ref, jnp.where(lane == b + 4, sv, _IMIN))
        kk = (2 * ns * 52429) >> 18

        def key_body(i, carry):
            x = buf_ref[pl.ds(i * _L, _L)]
            bits = jax.lax.bitcast_convert_type(x, jnp.int32)
            keym = bits ^ ((bits >> 31) & jnp.int32(0x7FFFFFFF))
            idx = lane + i * _L
            keys_ref[pl.ds(i * _L, _L)] = jnp.where(idx < nt, keym, _IMIN)
            return carry

        jax.lax.fori_loop(0, _NCH, key_body, 0)

        def count(t):
            acc_ref[pl.ds(0, _L)] = jnp.zeros((_L,), jnp.int32)

            def cbody(i, carry):
                a = jnp.zeros((_L,), jnp.int32)
                for u in range(4):
                    k = keys_ref[pl.ds((4 * i + u) * _L, _L)]
                    a = a + jnp.where(k > t, 1, 0)
                acc_ref[pl.ds(0, _L)] = acc_ref[pl.ds(0, _L)] + a
                return carry

            jax.lax.fori_loop(0, _NCH // 4, cbody, 0)
            return _xsum(red_ref, acc_ref[pl.ds(0, _L)])

        ls_ref[pl.ds(0, _L)] = jnp.full((_L,), _IMIN, jnp.int32)
        ls_ref[pl.ds(_L, _L)] = jnp.full((_L,), _IMAX, jnp.int32)

        def bs_body(i, carry):
            lo = ls_ref[pl.ds(0, _L)]
            hi = ls_ref[pl.ds(_L, _L)]
            mid = (lo & hi) + ((lo ^ hi) >> 1)
            ok = count(mid) >= kk
            ls_ref[pl.ds(0, _L)] = jnp.where(ok, mid, lo)
            ls_ref[pl.ds(_L, _L)] = jnp.where(ok, hi, mid)
            return carry

        jax.lax.fori_loop(0, 33, bs_body, 0)
        tstar = ls_ref[pl.ds(_L, _L)]
        need = kk - count(tstar)

        def gfun(iv):
            acc_ref[pl.ds(0, _L)] = jnp.zeros((_L,), jnp.int32)

            def gb(i, carry):
                k = keys_ref[pl.ds(i * _L, _L)]
                hit = (k == tstar) & ((lane + i * _L) < iv)
                acc_ref[pl.ds(0, _L)] = (acc_ref[pl.ds(0, _L)]
                                         + jnp.where(hit, 1, 0))
                return carry

            jax.lax.fori_loop(0, _NCH, gb, 0)
            return (_xsum(red_ref, acc_ref[pl.ds(0, _L)])
                    + jnp.where(iv > _NSC, 1, 0))

        ls_ref[pl.ds(0, _L)] = jnp.zeros((_L,), jnp.int32)
        ls_ref[pl.ds(_L, _L)] = jnp.full((_L,), _NSC + 1, jnp.int32)

        def ibs_body(i, carry):
            lo = ls_ref[pl.ds(0, _L)]
            hi = ls_ref[pl.ds(_L, _L)]
            mid = (lo + hi) >> 1
            ok = gfun(mid) <= need
            ls_ref[pl.ds(0, _L)] = jnp.where(ok, mid, lo)
            ls_ref[pl.ds(_L, _L)] = jnp.where(ok, hi, mid)
            return carry

        jax.lax.fori_loop(0, 13, ibs_body, 0)
        jstar = ls_ref[pl.ds(0, _L)]

        def mbody(i, carry):
            k = keys_ref[pl.ds(i * _L, _L)]
            keep = (k > tstar) | ((k == tstar) & ((lane + i * _L) < jstar))
            cm_ref[pl.ds(i * _L, _L)] = jnp.where(keep, jnp.float32(1.0),
                                                  jnp.float32(0.0))
            return carry

        jax.lax.fori_loop(0, _NCH, mbody, 0)
        cp3 = pltpu.make_async_copy(cm_ref, out_ref.at[b], sem)
        cp3.start()
        cp3.wait()


def _out_kernel(nsrc_ref, a1r_ref, a2r_ref, cmr_ref, a1c_ref, a2c_ref,
                cmc_ref, out_ref):
    b = pl.program_id(0)
    ti = pl.program_id(1)
    n = nsrc_ref[b]
    scale = jnp.float32(5.0) / (2 * n).astype(jnp.float32)
    ai = a1r_ref[0]
    a2i = a2r_ref[0]
    cmi = cmr_ref[0]
    aj = a1c_ref[0]
    a2j = a2c_ref[0]
    cmj = cmc_ref[0]
    tm = ai.shape[0]
    tn = aj.shape[-1]
    rid = ti * tm + jax.lax.broadcasted_iota(jnp.int32, (tm, 1), 0)
    cid = jax.lax.broadcasted_iota(jnp.int32, (1, tn), 1)
    v = jnp.maximum((ai + a2j) * jnp.float32(1.0 / _N_HEAD), 0.0)
    v = jnp.where((rid < n) & (cmj > 0), v, 0.0)
    gate = ((aj + a2i) > 0) & (cid < n) & (cmi > 0)
    out_ref[0] = scale * jnp.tanh(jnp.where(gate, v, 0.0))


def kernel(emb1, n_src, ns_tgt, W, a1, a2):
    B, N, IN_F = emb1.shape
    OUT_F = W.shape[0]
    ac = jnp.concatenate([a1, a2], axis=1).astype(jnp.bfloat16)
    wb = W.astype(jnp.bfloat16)

    BM = 512
    a12 = pl.pallas_call(
        _proj_kernel,
        grid=(B, N // BM),
        in_specs=[
            pl.BlockSpec((OUT_F, IN_F), lambda b, i: (0, 0)),
            pl.BlockSpec((OUT_F, 2), lambda b, i: (0, 0)),
            pl.BlockSpec((1, BM, IN_F), lambda b, i: (b, i, 0)),
        ],
        out_specs=pl.BlockSpec((1, BM, 2), lambda b, i: (b, i, 0)),
        out_shape=jax.ShapeDtypeStruct((B, N, 2), jnp.float32),
    )(wb, ac, emb1)

    a12_c = jnp.transpose(a12, (0, 2, 1))
    a1r = a12[:, :, 0:1]
    a2r = a12[:, :, 1:2]
    a1c = a12_c[:, 0:1, :]
    a2c = a12_c[:, 1:2, :]

    rank_fn = pl.kernel(
        _rank_sc_body,
        out_type=jax.ShapeDtypeStruct((B, N), jnp.float32),
        mesh=plsc.VectorSubcoreMesh(core_axis_name="c", subcore_axis_name="s"),
        scratch_types=[
            pltpu.VMEM((N,), jnp.float32),
            pltpu.VMEM((N,), jnp.int32),
            pltpu.VMEM((N,), jnp.float32),
            pltpu.VMEM((2 * _L,), jnp.int32),
            pltpu.VMEM((_L,), jnp.int32),
            pltpu.VMEM((_L,), jnp.int32),
            pltpu.VMEM((2 * _L,), jnp.int32),
            pltpu.SemaphoreType.DMA,
        ],
    )
    scal = jnp.concatenate(
        [n_src.astype(jnp.int32), ns_tgt.astype(jnp.int32),
         jnp.zeros(_L - 2 * B, jnp.int32)])
    cm2d = rank_fn(scal, a12_c[:, 1, :])
    cmc = cm2d[:, None, :]
    cmr = cm2d[:, :, None]

    TM = 256
    vec_c = pl.BlockSpec((1, 1, N), lambda b, i: (b, 0, 0))
    vec_r = pl.BlockSpec((1, TM, 1), lambda b, i: (b, i, 0))
    out = pl.pallas_call(
        _out_kernel,
        grid=(B, N // TM),
        in_specs=[
            pl.BlockSpec(memory_space=pltpu.SMEM),
            vec_r, vec_r, vec_r, vec_c, vec_c, vec_c,
        ],
        out_specs=pl.BlockSpec((1, TM, N), lambda b, i: (b, i, 0)),
        out_shape=jax.ShapeDtypeStruct((B, N, N), jnp.float32),
    )(n_src, a1r, a2r, cmr, a1c, a2c, cmc)
    return out

# --- scband reference (transcript-rebuilt; emitter-appended) ---
"""Pipeline reference for scband-graph-attention-layer-37606733644546 (READ-ONLY COPY).

The authoritative reference and input builder live on the scoring server;
editing this copy changes nothing except your own understanding.
"""

import jax, jax.numpy as jnp
import numpy as np

B, N = 4, 2048
IN_F, OUT_F = 2048, 1024
N_HEAD = 16
LAYER_ID = 0


def _xavier_uniform(key, shape, gain=1.414):
    fan_out, fan_in = shape[0], shape[1]
    bound = gain * np.sqrt(6.0 / (fan_in + fan_out))
    return jax.random.uniform(key, shape, dtype=jnp.float32, minval=-bound, maxval=bound)


def setup_inputs(seed: int = 0) -> dict:
    key = jax.random.key(seed)
    k1, k2, k3, k4, k5, k6 = jax.random.split(key, 6)
    emb1 = jax.random.normal(k1, (B, N, IN_F), dtype=jnp.float32)
    # valid node counts per graph in [N//2, N]; torch's mask/where requires max(n_src)==max(ns_tgt)==N,
    # so pin one entry to N.
    n_src = jax.random.randint(k5, (B,), N // 2, N + 1, dtype=jnp.int32).at[0].set(N)
    ns_tgt = jax.random.randint(k6, (B,), N // 2, N + 1, dtype=jnp.int32).at[0].set(N)
    W = _xavier_uniform(k2, (OUT_F, IN_F))   # nn.Linear weight layout [out, in]
    a1 = _xavier_uniform(k3, (OUT_F, 1))
    a2 = _xavier_uniform(k4, (OUT_F, 1))
    return {"emb1": emb1, "n_src": n_src, "ns_tgt": ns_tgt, "W": W, "a1": a1, "a2": a2}


def reference(emb1, n_src, ns_tgt, W, a1, a2):
    # h = self.W(emb1)
    h = jnp.einsum('bnd,od->bno', emb1, W)            # [B, N, OUT_F]
    a1v = h @ a1                                      # [B, N, 1]
    a2v = h @ a2                                      # [B, N, 1]
    e = (a1v + jnp.swapaxes(a2v, 1, 2)) / float(N_HEAD)  # [B, N, N]
    max_rows = emb1.shape[1]
    max_cols = emb1.shape[1]
    rows = jnp.arange(max_rows)
    cols = jnp.arange(max_cols)
    mask = (rows[None, :, None] < n_src[:, None, None]) & (cols[None, None, :] < ns_tgt[:, None, None])
    attention = jnp.maximum(e, 0.0)                   # relu
    attention = jnp.where(mask, attention, 0.0)
    # ratio = max(0.4 / 2**layer_id, 0.1)
    ratio = max(0.4 / (2.0 ** LAYER_ID), 0.1)
    K = (2 * N) // 5
    kks = (2 * n_src) // 5                            # == int(float(n_src[b]) * ratio) for n in [N//2, N]
    # scale_value[b] == float32(1.0 / (float(n_src[b]) * ratio)) == round_f32(5 / (2*n_src[b])),
    # computed exactly via int32 long division of 5*2^36 by 2*n_src with round-to-nearest-even.
    D = 2 * n_src
    r = jnp.full_like(D, 5)
    q = jnp.zeros_like(D)
    for _ in range(3):
        t = r * 4096
        d = t // D
        r = t - d * D
        q = q * 4096 + d
    shift = jnp.where(q >= (1 << 27), 4, 3).astype(jnp.int32)
    m = jnp.right_shift(q, shift)
    rem = q - jnp.left_shift(m, shift)
    half = jnp.left_shift(jnp.ones_like(q), shift - 1)
    roundup = (rem > half) | ((rem == half) & ((r > 0) | (m % 2 == 1)))
    m = m + roundup.astype(jnp.int32)
    scales = m.astype(jnp.float32) * jnp.where(shift == 4, jnp.float32(2.0 ** -32), jnp.float32(2.0 ** -33))
    col_ids = jnp.arange(K)[None, :]
    outs = []
    for b in range(B):
        batt = attention[b]                           # [N, N]
        vals, idx = jax.lax.top_k(batt, K)            # per-row topk along dim=-1
        vals = jnp.where(col_ids < kks[b], vals, 0.0)
        row_ids = jnp.arange(batt.shape[0])[:, None]
        btopk = jnp.zeros_like(batt).at[row_ids, idx].set(vals)  # scatter_(1, index, valuem)
        label = jnp.where(btopk > 0, 1.0, 0.0)
        outs.append(btopk * label.T)
    topk_attention = jnp.stack(outs, axis=0)          # [B, N, N]
    scale_value = scales[:, None, None]
    return scale_value * jnp.tanh(topk_attention)

if __name__ == "__main__":
    import jax
    _d = setup_inputs()
    print(jax.jit(kernel)(*tuple(_d.values())))

</pallas_src>

<mosaic_0001>
#map = affine_map<(d0, d1) -> (0)>
#map1 = affine_map<(d0, d1) -> (0, 0)>
module attributes {stable_mosaic.version = 14 : i64} {
  func.func @_rank_sc_body(%arg0: i32, %arg1: i32, %arg2: memref<16xi32, #tpu.memory_space<hbm>>, %arg3: memref<4x2048xf32, #tpu.memory_space<hbm>>, %arg4: memref<4x2048xf32, #tpu.memory_space<hbm>>, %arg5: memref<2048xf32, #tpu.memory_space<vmem>>, %arg6: memref<2048xi32, #tpu.memory_space<vmem>>, %arg7: memref<2048xf32, #tpu.memory_space<vmem>>, %arg8: memref<32xi32, #tpu.memory_space<vmem>>, %arg9: memref<16xi32, #tpu.memory_space<vmem>>, %arg10: memref<16xi32, #tpu.memory_space<vmem>>, %arg11: memref<32xi32, #tpu.memory_space<vmem>>, %arg12: memref<!tpu.dma_semaphore, #tpu.memory_space<semaphore_mem>>) attributes {dimension_semantics = [#tpu.dimension_semantics<core_parallel>, #tpu.dimension_semantics<subcore_parallel>], iteration_bounds = array<i64: 2, 16>, scalar_prefetch = 0 : i64, scratch_operands = 8 : i64, tpu.core_type = #tpu.core_type<sc_vector_subcore>, window_params = [{transform_indices = #map}, {transform_indices = #map1}, {transform_indices = #map1}]} {
    %mul3A = arith.constant 16 : i32
    %mul3A_0 = arith.muli %arg0, %mul3A : i32
    %add3A = arith.addi %mul3A_0, %arg1 : i32
    %lt3A = arith.constant 4 : i32
    %lt3A_1 = arith.cmpi slt, %add3A, %lt3A : i32
    %convert_element_type3A = arith.extui %lt3A_1 : i1 to i32
    %cond3A = arith.constant 0 : i32
    %cond3A_2 = arith.cmpi ne, %convert_element_type3A, %cond3A : i32
    scf.if %cond3A_2 {
      tpu.enqueue_dma source(%arg2 : memref<16xi32, #tpu.memory_space<hbm>>) target(%arg9 : memref<16xi32, #tpu.memory_space<vmem>>) target_semaphore(%arg12 : memref<!tpu.dma_semaphore, #tpu.memory_space<semaphore_mem>>)
      tpu.wait_dma2 semaphore(%arg12 : memref<!tpu.dma_semaphore, #tpu.memory_space<semaphore_mem>>) src(%arg2 : memref<16xi32, #tpu.memory_space<hbm>>) dst(%arg9 : memref<16xi32, #tpu.memory_space<vmem>>)
      %dma_start3A = arith.constant 0 : i32
      %dma_start3A_3 = tpu.memref_slice %arg3[%add3A, %dma_start3A] : memref<4x2048xf32, #tpu.memory_space<hbm>> -> memref<1x2048xf32, #tpu.memory_space<hbm>>
      %dma_start3A_4 = tpu.memref_squeeze %dma_start3A_3 : memref<1x2048xf32, #tpu.memory_space<hbm>> -> memref<2048xf32, #tpu.memory_space<hbm>>
      %dma_start3A_5 = arith.constant 0 : i32
      %dma_start3A_6 = tpu.memref_slice %arg3[%add3A, %dma_start3A_5] : memref<4x2048xf32, #tpu.memory_space<hbm>> -> memref<1x2048xf32, #tpu.memory_space<hbm>>
      %dma_start3A_7 = tpu.memref_squeeze %dma_start3A_6 : memref<1x2048xf32, #tpu.memory_space<hbm>> -> memref<2048xf32, #tpu.memory_space<hbm>>
      tpu.enqueue_dma source(%dma_start3A_7 : memref<2048xf32, #tpu.memory_space<hbm>>) target(%arg5 : memref<2048xf32, #tpu.memory_space<vmem>>) target_semaphore(%arg12 : memref<!tpu.dma_semaphore, #tpu.memory_space<semaphore_mem>>)
      %dma_wait3A = arith.constant 0 : i32
      %dma_wait3A_8 = tpu.memref_slice %arg3[%add3A, %dma_wait3A] : memref<4x2048xf32, #tpu.memory_space<hbm>> -> memref<1x2048xf32, #tpu.memory_space<hbm>>
      %dma_wait3A_9 = tpu.memref_squeeze %dma_wait3A_8 : memref<1x2048xf32, #tpu.memory_space<hbm>> -> memref<2048xf32, #tpu.memory_space<hbm>>
      %dma_wait3A_10 = arith.constant 0 : i32
      %dma_wait3A_11 = tpu.memref_slice %arg3[%add3A, %dma_wait3A_10] : memref<4x2048xf32, #tpu.memory_space<hbm>> -> memref<1x2048xf32, #tpu.memory_space<hbm>>
      %dma_wait3A_12 = tpu.memref_squeeze %dma_wait3A_11 : memref<1x2048xf32, #tpu.memory_space<hbm>> -> memref<2048xf32, #tpu.memory_space<hbm>>
      tpu.wait_dma2 semaphore(%arg12 : memref<!tpu.dma_semaphore, #tpu.memory_space<semaphore_mem>>) src(%dma_wait3A_12 : memref<2048xf32, #tpu.memory_space<hbm>>) dst(%arg5 : memref<2048xf32, #tpu.memory_space<vmem>>)
      %iota3A = tpu.iota {dimensions = array<i32: 0>} : vector<16xi32>
      %get3A = arith.constant 0 : index
      %get3A_13 = tpu.vector_load %arg9[%get3A] {strides = array<i32>} : memref<16xi32, #tpu.memory_space<vmem>>, vector<16xi32>,
      %get3A_14 = vector.shape_cast %get3A_13 : vector<16xi32> to vector<16xi32>
      %eq3A = vector.broadcast %add3A : i32 to vector<16xi32>
      %eq3A_15 = arith.cmpi eq, %iota3A, %eq3A : vector<16xi32>
      %jit3A = arith.constant -2147483648 : i32
      %broadcast_in_dim3A = vector.broadcast %jit3A : i32 to vector<16xi32>
      %select_n3A = arith.select %eq3A_15, %get3A_14, %broadcast_in_dim3A : vector<16xi1>, vector<16xi32>
      %swap3A = arith.constant 0 : index
      %swap3A_16 = tpu.vector_load %arg8[%swap3A] {strides = array<i32>} : memref<32xi32, #tpu.memory_space<vmem>>, vector<16xi32>,
      %swap3A_17 = vector.shape_cast %swap3A_16 : vector<16xi32> to vector<16xi32>
      %swap3A_18 = vector.shape_cast %select_n3A : vector<16xi32> to vector<16xi32>
      tpu.vector_store %arg8[%swap3A], %swap3A_18 {strides = array<i32>} : memref<32xi32, #tpu.memory_space<vmem>>, vector<16xi32>,
      %swap3A_19 = arith.constant 16 : index
      %swap3A_20 = tpu.vector_load %arg8[%swap3A_19] {strides = array<i32>} : memref<32xi32, #tpu.memory_space<vmem>>, vector<16xi32>,
      %swap3A_21 = vector.shape_cast %swap3A_20 : vector<16xi32> to vector<16xi32>
      %swap3A_22 = vector.shape_cast %select_n3A : vector<16xi32> to vector<16xi32>
      tpu.vector_store %arg8[%swap3A_19], %swap3A_22 {strides = array<i32>} : memref<32xi32, #tpu.memory_space<vmem>>, vector<16xi32>,
      %get3A_23 = arith.constant 1 : index
      %get3A_24 = tpu.vector_load %arg8[%get3A_23] {strides = array<i32>} : memref<32xi32, #tpu.memory_space<vmem>>, vector<16xi32>,
      %get3A_25 = vector.shape_cast %get3A_24 : vector<16xi32> to vector<16xi32>
      %max3A = arith.maxsi %select_n3A, %get3A_25 : vector<16xi32>
      %swap3A_26 = arith.constant 0 : index
      %swap3A_27 = tpu.vector_load %arg8[%swap3A_26] {strides = array<i32>} : memref<32xi32, #tpu.memory_space<vmem>>, vector<16xi32>,
      %swap3A_28 = vector.shape_cast %swap3A_27 : vector<16xi32> to vector<16xi32>
      %swap3A_29 = vector.shape_cast %max3A : vector<16xi32> to vector<16xi32>
      tpu.vector_store %arg8[%swap3A_26], %swap3A_29 {strides = array<i32>} : memref<32xi32, #tpu.memory_space<vmem>>, vector<16xi32>,
      %swap3A_30 = arith.constant 16 : index
      %swap3A_31 = tpu.vector_load %arg8[%swap3A_30] {strides = array<i32>} : memref<32xi32, #tpu.memory_space<vmem>>, vector<16xi32>,
      %swap3A_32 = vector.shape_cast %swap3A_31 : vector<16xi32> to vector<16xi32>
      %swap3A_33 = vector.shape_cast %max3A : vector<16xi32> to vector<16xi32>
      tpu.vector_store %arg8[%swap3A_30], %swap3A_33 {strides = array<i32>} : memref<32xi32, #tpu.memory_space<vmem>>, vector<16xi32>,
      %get3A_34 = arith.constant 2 : index
      %get3A_35 = tpu.vector_load %arg8[%get3A_34] {strides = array<i32>} : memref<32xi32, #tpu.memory_space<vmem>>, vector<16xi32>,
      %get3A_36 = vector.shape_cast %get3A_35 : vector<16xi32> to vector<16xi32>
      %max3A_37 = arith.maxsi %max3A, %get3A_36 : vector<16xi32>
      %swap3A_38 = arith.constant 0 : index
      %swap3A_39 = tpu.vector_load %arg8[%swap3A_38] {strides = array<i32>} : memref<32xi32, #tpu.memory_space<vmem>>, vector<16xi32>,
      %swap3A_40 = vector.shape_cast %swap3A_39 : vector<16xi32> to vector<16xi32>
      %swap3A_41 = vector.shape_cast %max3A_37 : vector<16xi32> to vector<16xi32>
      tpu.vector_store %arg8[%swap3A_38], %swap3A_41 {strides = array<i32>} : memref<32xi32, #tpu.memory_space<vmem>>, vector<16xi32>,
      %swap3A_42 = arith.constant 16 : index
      %swap3A_43 = tpu.vector_load %arg8[%swap3A_42] {strides = array<i32>} : memref<32xi32, #tpu.memory_space<vmem>>, vector<16xi32>,
      %swap3A_44 = vector.shape_cast %swap3A_43 : vector<16xi32> to vector<16xi32>
      %swap3A_45 = vector.shape_cast %max3A_37 : vector<16xi32> to vector<16xi32>
      tpu.vector_store %arg8[%swap3A_42], %swap3A_45 {strides = array<i32>} : memref<32xi32, #tpu.memory_space<vmem>>, vector<16xi32>,
      %get3A_46 = arith.constant 4 : index
      %get3A_47 = tpu.vector_load %arg8[%get3A_46] {strides = array<i32>} : memref<32xi32, #tpu.memory_space<vmem>>, vector<16xi32>,
      %get3A_48 = vector.shape_cast %get3A_47 : vector<16xi32> to vector<16xi32>
      %max3A_49 = arith.maxsi %max3A_37, %get3A_48 : vector<16xi32>
      %swap3A_50 = arith.constant 0 : index
      %swap3A_51 = tpu.vector_load %arg8[%swap3A_50] {strides = array<i32>} : memref<32xi32, #tpu.memory_space<vmem>>, vector<16xi32>,
      %swap3A_52 = vector.shape_cast %swap3A_51 : vector<16xi32> to vector<16xi32>
      %swap3A_53 = vector.shape_cast %max3A_49 : vector<16xi32> to vector<16xi32>
      tpu.vector_store %arg8[%swap3A_50], %swap3A_53 {strides = array<i32>} : memref<32xi32, #tpu.memory_space<vmem>>, vector<16xi32>,
      %swap3A_54 = arith.constant 16 : index
      %swap3A_55 = tpu.vector_load %arg8[%swap3A_54] {strides = array<i32>} : memref<32xi32, #tpu.memory_space<vmem>>, vector<16xi32>,
      %swap3A_56 = vector.shape_cast %swap3A_55 : vector<16xi32> to vector<16xi32>
      %swap3A_57 = vector.shape_cast %max3A_49 : vector<16xi32> to vector<16xi32>
      tpu.vector_store %arg8[%swap3A_54], %swap3A_57 {strides = array<i32>} : memref<32xi32, #tpu.memory_space<vmem>>, vector<16xi32>,
      %get3A_58 = arith.constant 8 : index
      %get3A_59 = tpu.vector_load %arg8[%get3A_58] {strides = array<i32>} : memref<32xi32, #tpu.memory_space<vmem>>, vector<16xi32>,
      %get3A_60 = vector.shape_cast %get3A_59 : vector<16xi32> to vector<16xi32>
      %max3A_61 = arith.maxsi %max3A_49, %get3A_60 : vector<16xi32>
      %add3A_62 = arith.constant 4 : i32
      %add3A_63 = arith.addi %add3A, %add3A_62 : i32
      %eq3A_64 = vector.broadcast %add3A_63 : i32 to vector<16xi32>
      %eq3A_65 = arith.cmpi eq, %iota3A, %eq3A_64 : vector<16xi32>
      %jit3A_66 = arith.constant -2147483648 : i32
      %broadcast_in_dim3A_67 = vector.broadcast %jit3A_66 : i32 to vector<16xi32>
      %select_n3A_68 = arith.select %eq3A_65, %get3A_14, %broadcast_in_dim3A_67 : vector<16xi1>, vector<16xi32>
      %swap3A_69 = arith.constant 0 : index
      %swap3A_70 = tpu.vector_load %arg8[%swap3A_69] {strides = array<i32>} : memref<32xi32, #tpu.memory_space<vmem>>, vector<16xi32>,
      %swap3A_71 = vector.shape_cast %swap3A_70 : vector<16xi32> to vector<16xi32>
      %swap3A_72 = vector.shape_cast %select_n3A_68 : vector<16xi32> to vector<16xi32>
      tpu.vector_store %arg8[%swap3A_69], %swap3A_72 {strides = array<i32>} : memref<32xi32, #tpu.memory_space<vmem>>, vector<16xi32>,
      %swap3A_73 = arith.constant 16 : index
      %swap3A_74 = tpu.vector_load %arg8[%swap3A_73] {strides = array<i32>} : memref<32xi32, #tpu.memory_space<vmem>>, vector<16xi32>,
      %swap3A_75 = vector.shape_cast %swap3A_74 : vector<16xi32> to vector<16xi32>
      %swap3A_76 = vector.shape_cast %select_n3A_68 : vector<16xi32> to vector<16xi32>
      tpu.vector_store %arg8[%swap3A_73], %swap3A_76 {strides = array<i32>} : memref<32xi32, #tpu.memory_space<vmem>>, vector<16xi32>,
      %get3A_77 = arith.constant 1 : index
      %get3A_78 = tpu.vector_load %arg8[%get3A_77] {strides = array<i32>} : memref<32xi32, #tpu.memory_space<vmem>>, vector<16xi32>,
      %get3A_79 = vector.shape_cast %get3A_78 : vector<16xi32> to vector<16xi32>
      %max3A_80 = arith.maxsi %select_n3A_68, %get3A_79 : vector<16xi32>
      %swap3A_81 = arith.constant 0 : index
      %swap3A_82 = tpu.vector_load %arg8[%swap3A_81] {strides = array<i32>} : memref<32xi32, #tpu.memory_space<vmem>>, vector<16xi32>,
      %swap3A_83 = vector.shape_cast %swap3A_82 : vector<16xi32> to vector<16xi32>
      %swap3A_84 = vector.shape_cast %max3A_80 : vector<16xi32> to vector<16xi32>
      tpu.vector_store %arg8[%swap3A_81], %swap3A_84 {strides = array<i32>} : memref<32xi32, #tpu.memory_space<vmem>>, vector<16xi32>,
      %swap3A_85 = arith.constant 16 : index
      %swap3A_86 = tpu.vector_load %arg8[%swap3A_85] {strides = array<i32>} : memref<32xi32, #tpu.memory_space<vmem>>, vector<16xi32>,
      %swap3A_87 = vector.shape_cast %swap3A_86 : vector<16xi32> to vector<16xi32>
      %swap3A_88 = vector.shape_cast %max3A_80 : vector<16xi32> to vector<16xi32>
      tpu.vector_store %arg8[%swap3A_85], %swap3A_88 {strides = array<i32>} : memref<32xi32, #tpu.memory_space<vmem>>, vector<16xi32>,
      %get3A_89 = arith.constant 2 : index
      %get3A_90 = tpu.vector_load %arg8[%get3A_89] {strides = array<i32>} : memref<32xi32, #tpu.memory_space<vmem>>, vector<16xi32>,
      %get3A_91 = vector.shape_cast %get3A_90 : vector<16xi32> to vector<16xi32>
      %max3A_92 = arith.maxsi %max3A_80, %get3A_91 : vector<16xi32>
      %swap3A_93 = arith.constant 0 : index
      %swap3A_94 = tpu.vector_load %arg8[%swap3A_93] {strides = array<i32>} : memref<32xi32, #tpu.memory_space<vmem>>, vector<16xi32>,
      %swap3A_95 = vector.shape_cast %swap3A_94 : vector<16xi32> to vector<16xi32>
      %swap3A_96 = vector.shape_cast %max3A_92 : vector<16xi32> to vector<16xi32>
      tpu.vector_store %arg8[%swap3A_93], %swap3A_96 {strides = array<i32>} : memref<32xi32, #tpu.memory_space<vmem>>, vector<16xi32>,
      %swap3A_97 = arith.constant 16 : index
      %swap3A_98 = tpu.vector_load %arg8[%swap3A_97] {strides = array<i32>} : memref<32xi32, #tpu.memory_space<vmem>>, vector<16xi32>,
      %swap3A_99 = vector.shape_cast %swap3A_98 : vector<16xi32> to vector<16xi32>
      %swap3A_100 = vector.shape_cast %max3A_92 : vector<16xi32> to vector<16xi32>
      tpu.vector_store %arg8[%swap3A_97], %swap3A_100 {strides = array<i32>} : memref<32xi32, #tpu.memory_space<vmem>>, vector<16xi32>,
      %get3A_101 = arith.constant 4 : index
      %get3A_102 = tpu.vector_load %arg8[%get3A_101] {strides = array<i32>} : memref<32xi32, #tpu.memory_space<vmem>>, vector<16xi32>,
      %get3A_103 = vector.shape_cast %get3A_102 : vector<16xi32> to vector<16xi32>
      %max3A_104 = arith.maxsi %max3A_92, %get3A_103 : vector<16xi32>
      %swap3A_105 = arith.constant 0 : index
      %swap3A_106 = tpu.vector_load %arg8[%swap3A_105] {strides = array<i32>} : memref<32xi32, #tpu.memory_space<vmem>>, vector<16xi32>,
      %swap3A_107 = vector.shape_cast %swap3A_106 : vector<16xi32> to vector<16xi32>
      %swap3A_108 = vector.shape_cast %max3A_104 : vector<16xi32> to vector<16xi32>
      tpu.vector_store %arg8[%swap3A_105], %swap3A_108 {strides = array<i32>} : memref<32xi32, #tpu.memory_space<vmem>>, vector<16xi32>,
      %swap3A_109 = arith.constant 16 : index
      %swap3A_110 = tpu.vector_load %arg8[%swap3A_109] {strides = array<i32>} : memref<32xi32, #tpu.memory_space<vmem>>, vector<16xi32>,
      %swap3A_111 = vector.shape_cast %swap3A_110 : vector<16xi32> to vector<16xi32>
      %swap3A_112 = vector.shape_cast %max3A_104 : vector<16xi32> to vector<16xi32>
      tpu.vector_store %arg8[%swap3A_109], %swap3A_112 {strides = array<i32>} : memref<32xi32, #tpu.memory_space<vmem>>, vector<16xi32>,
      %get3A_113 = arith.constant 8 : index
      %get3A_114 = tpu.vector_load %arg8[%get3A_113] {strides = array<i32>} : memref<32xi32, #tpu.memory_space<vmem>>, vector<16xi32>,
      %get3A_115 = vector.shape_cast %get3A_114 : vector<16xi32> to vector<16xi32>
      %max3A_116 = arith.maxsi %max3A_104, %get3A_115 : vector<16xi32>
      %mul3A_117 = arith.constant 2 : i32
      %mul3A_118 = vector.broadcast %mul3A_117 : i32 to vector<16xi32>
      %mul3A_119 = arith.muli %mul3A_118, %max3A_61 : vector<16xi32>
      %mul3A_120 = arith.constant 52429 : i32
      %mul3A_121 = vector.broadcast %mul3A_120 : i32 to vector<16xi32>
      %mul3A_122 = arith.muli %mul3A_119, %mul3A_121 : vector<16xi32>
      %shift_right_arithmetic3A = arith.constant 18 : i32
      %shift_right_arithmetic3A_123 = vector.broadcast %shift_right_arithmetic3A : i32 to vector<16xi32>
      %shift_right_arithmetic3A_124 = arith.shrsi %mul3A_122, %shift_right_arithmetic3A_123 : vector<16xi32>
      %scan3A = arith.constant 0 : i32
      %scan3A_125 = arith.constant 0 : i32
      %scan3A_126 = arith.constant 128 : i32
      %scan3A_127 = arith.addi %scan3A_125, %scan3A_126 : i32
      %scan3A_128 = arith.constant 1 : i32
      scf.for %scan3A_253 = %scan3A_125 to %scan3A_127 step %scan3A_128  : i32 {
        %mul3A_254 = arith.constant 16 : i32
        %mul3A_255 = arith.muli %scan3A_253, %mul3A_254 : i32
        %get3A_256 = arith.index_cast %mul3A_255 : i32 to index
        %get3A_257 = tpu.vector_load %arg5[%get3A_256] {strides = array<i32>} : memref<2048xf32, #tpu.memory_space<vmem>>, vector<16xf32>,
        %get3A_258 = vector.shape_cast %get3A_257 : vector<16xf32> to vector<16xf32>
        %bitcast_convert_type3A = tpu.bitcast %get3A_258 : vector<16xf32> -> vector<16xi32>
        %shift_right_arithmetic3A_259 = arith.constant 31 : i32
        %shift_right_arithmetic3A_260 = vector.broadcast %shift_right_arithmetic3A_259 : i32 to vector<16xi32>
        %shift_right_arithmetic3A_261 = arith.shrsi %bitcast_convert_type3A, %shift_right_arithmetic3A_260 : vector<16xi32>
        %and3A = arith.constant 2147483647 : i32
        %and3A_262 = vector.broadcast %and3A : i32 to vector<16xi32>
        %and3A_263 = arith.andi %shift_right_arithmetic3A_261, %and3A_262 : vector<16xi32>
        %xor3A = arith.xori %bitcast_convert_type3A, %and3A_263 : vector<16xi32>
        %mul3A_264 = arith.constant 16 : i32
        %mul3A_265 = arith.muli %scan3A_253, %mul3A_264 : i32
        %add3A_266 = vector.broadcast %mul3A_265 : i32 to vector<16xi32>
        %add3A_267 = arith.addi %iota3A, %add3A_266 : vector<16xi32>
        %lt3A_268 = arith.cmpi slt, %add3A_267, %max3A_116 : vector<16xi32>
        %jit3A_269 = arith.constant -2147483648 : i32
        %broadcast_in_dim3A_270 = vector.broadcast %jit3A_269 : i32 to vector<16xi32>
        %select_n3A_271 = arith.select %lt3A_268, %xor3A, %broadcast_in_dim3A_270 : vector<16xi1>, vector<16xi32>
        %mul3A_272 = arith.constant 16 : i32
        %mul3A_273 = arith.muli %scan3A_253, %mul3A_272 : i32
        %swap3A_274 = arith.index_cast %mul3A_273 : i32 to index
        %swap3A_275 = tpu.vector_load %arg6[%swap3A_274] {strides = array<i32>} : memref<2048xi32, #tpu.memory_space<vmem>>, vector<16xi32>,
        %swap3A_276 = vector.shape_cast %swap3A_275 : vector<16xi32> to vector<16xi32>
        %swap3A_277 = vector.shape_cast %select_n3A_271 : vector<16xi32> to vector<16xi32>
        tpu.vector_store %arg6[%swap3A_274], %swap3A_277 {strides = array<i32>} : memref<2048xi32, #tpu.memory_space<vmem>>, vector<16xi32>,
      }
      %scan3A_129 = arith.constant 128 : i32
      %broadcast_in_dim3A_130 = arith.constant -2147483648 : i32
      %broadcast_in_dim3A_131 = vector.broadcast %broadcast_in_dim3A_130 : i32 to vector<16xi32>
      %swap3A_132 = arith.constant 0 : index
      %swap3A_133 = tpu.vector_load %arg11[%swap3A_132] {strides = array<i32>} : memref<32xi32, #tpu.memory_space<vmem>>, vector<16xi32>,
      %swap3A_134 = vector.shape_cast %swap3A_133 : vector<16xi32> to vector<16xi32>
      %swap3A_135 = vector.shape_cast %broadcast_in_dim3A_131 : vector<16xi32> to vector<16xi32>
      tpu.vector_store %arg11[%swap3A_132], %swap3A_135 {strides = array<i32>} : memref<32xi32, #tpu.memory_space<vmem>>, vector<16xi32>,
      %broadcast_in_dim3A_136 = arith.constant 2147483647 : i32
      %broadcast_in_dim3A_137 = vector.broadcast %broadcast_in_dim3A_136 : i32 to vector<16xi32>
      %swap3A_138 = arith.constant 16 : index
      %swap3A_139 = tpu.vector_load %arg11[%swap3A_138] {strides = array<i32>} : memref<32xi32, #tpu.memory_space<vmem>>, vector<16xi32>,
      %swap3A_140 = vector.shape_cast %swap3A_139 : vector<16xi32> to vector<16xi32>
      %swap3A_141 = vector.shape_cast %broadcast_in_dim3A_137 : vector<16xi32> to vector<16xi32>
      tpu.vector_store %arg11[%swap3A_138], %swap3A_141 {strides = array<i32>} : memref<32xi32, #tpu.memory_space<vmem>>, vector<16xi32>,
      %scan3A_142 = arith.constant 0 : i32
      %scan3A_143 = arith.constant 0 : i32
      %scan3A_144 = arith.constant 33 : i32
      %scan3A_145 = arith.addi %scan3A_143, %scan3A_144 : i32
      %scan3A_146 = arith.constant 1 : i32
      scf.for %scan3A_253 = %scan3A_143 to %scan3A_145 step %scan3A_146  : i32 {
        %get3A_254 = arith.constant 0 : index
        %get3A_255 = tpu.vector_load %arg11[%get3A_254] {strides = array<i32>} : memref<32xi32, #tpu.memory_space<vmem>>, vector<16xi32>,
        %get3A_256 = vector.shape_cast %get3A_255 : vector<16xi32> to vector<16xi32>
        %get3A_257 = arith.constant 16 : index
        %get3A_258 = tpu.vector_load %arg11[%get3A_257] {strides = array<i32>} : memref<32xi32, #tpu.memory_space<vmem>>, vector<16xi32>,
        %get3A_259 = vector.shape_cast %get3A_258 : vector<16xi32> to vector<16xi32>
        %and3A = arith.andi %get3A_256, %get3A_259 : vector<16xi32>
        %xor3A = arith.xori %get3A_256, %get3A_259 : vector<16xi32>
        %shift_right_arithmetic3A_260 = arith.constant 1 : i32
        %shift_right_arithmetic3A_261 = vector.broadcast %shift_right_arithmetic3A_260 : i32 to vector<16xi32>
        %shift_right_arithmetic3A_262 = arith.shrsi %xor3A, %shift_right_arithmetic3A_261 : vector<16xi32>
        %add3A_263 = arith.addi %and3A, %shift_right_arithmetic3A_262 : vector<16xi32>
        %broadcast_in_dim3A_264 = arith.constant 0 : i32
        %broadcast_in_dim3A_265 = vector.broadcast %broadcast_in_dim3A_264 : i32 to vector<16xi32>
        %swap3A_266 = arith.constant 0 : index
        %swap3A_267 = tpu.vector_load %arg10[%swap3A_266] {strides = array<i32>} : memref<16xi32, #tpu.memory_space<vmem>>, vector<16xi32>,
        %swap3A_268 = vector.shape_cast %swap3A_267 : vector<16xi32> to vector<16xi32>
        %swap3A_269 = vector.shape_cast %broadcast_in_dim3A_265 : vector<16xi32> to vector<16xi32>
        tpu.vector_store %arg10[%swap3A_266], %swap3A_269 {strides = array<i32>} : memref<16xi32, #tpu.memory_space<vmem>>, vector<16xi32>,
        %scan3A_270 = arith.constant 0 : i32
        %scan3A_271 = arith.constant 0 : i32
        %scan3A_272 = arith.constant 32 : i32
        %scan3A_273 = arith.addi %scan3A_271, %scan3A_272 : i32
        %scan3A_274 = arith.constant 1 : i32
        scf.for %scan3A_337 = %scan3A_271 to %scan3A_273 step %scan3A_274  : i32 {
          %broadcast_in_dim3A_338 = arith.constant 0 : i32
          %broadcast_in_dim3A_339 = vector.broadcast %broadcast_in_dim3A_338 : i32 to vector<16xi32>
          %mul3A_340 = arith.constant 4 : i32
          %mul3A_341 = arith.muli %mul3A_340, %scan3A_337 : i32
          %add3A_342 = arith.constant 0 : i32
          %add3A_343 = arith.addi %mul3A_341, %add3A_342 : i32
          %mul3A_344 = arith.constant 16 : i32
          %mul3A_345 = arith.muli %add3A_343, %mul3A_344 : i32
          %get3A_346 = arith.index_cast %mul3A_345 : i32 to index
          %get3A_347 = tpu.vector_load %arg6[%get3A_346] {strides = array<i32>} : memref<2048xi32, #tpu.memory_space<vmem>>, vector<16xi32>,
          %get3A_348 = vector.shape_cast %get3A_347 : vector<16xi32> to vector<16xi32>
          %gt3A = arith.cmpi sgt, %get3A_348, %add3A_263 : vector<16xi32>
          %jit3A_349 = arith.constant 1 : i32
          %jit3A_350 = arith.constant 0 : i32
          %broadcast_in_dim3A_351 = vector.broadcast %jit3A_349 : i32 to vector<16xi32>
          %broadcast_in_dim3A_352 = vector.broadcast %jit3A_350 : i32 to vector<16xi32>
          %select_n3A_353 = arith.select %gt3A, %broadcast_in_dim3A_351, %broadcast_in_dim3A_352 : vector<16xi1>, vector<16xi32>
          %add3A_354 = arith.addi %broadcast_in_dim3A_339, %select_n3A_353 : vector<16xi32>
          %mul3A_355 = arith.constant 4 : i32
          %mul3A_356 = arith.muli %mul3A_355, %scan3A_337 : i32
          %add3A_357 = arith.constant 1 : i32
          %add3A_358 = arith.addi %mul3A_356, %add3A_357 : i32
          %mul3A_359 = arith.constant 16 : i32
          %mul3A_360 = arith.muli %add3A_358, %mul3A_359 : i32
          %get3A_361 = arith.index_cast %mul3A_360 : i32 to index
          %get3A_362 = tpu.vector_load %arg6[%get3A_361] {strides = array<i32>} : memref<2048xi32, #tpu.memory_space<vmem>>, vector<16xi32>,
          %get3A_363 = vector.shape_cast %get3A_362 : vector<16xi32> to vector<16xi32>
          %gt3A_364 = arith.cmpi sgt, %get3A_363, %add3A_263 : vector<16xi32>
          %jit3A_365 = arith.constant 1 : i32
          %jit3A_366 = arith.constant 0 : i32
          %broadcast_in_dim3A_367 = vector.broadcast %jit3A_365 : i32 to vector<16xi32>
          %broadcast_in_dim3A_368 = vector.broadcast %jit3A_366 : i32 to vector<16xi32>
          %select_n3A_369 = arith.select %gt3A_364, %broadcast_in_dim3A_367, %broadcast_in_dim3A_368 : vector<16xi1>, vector<16xi32>
          %add3A_370 = arith.addi %add3A_354, %select_n3A_369 : vector<16xi32>
          %mul3A_371 = arith.constant 4 : i32
          %mul3A_372 = arith.muli %mul3A_371, %scan3A_337 : i32
          %add3A_373 = arith.constant 2 : i32
          %add3A_374 = arith.addi %mul3A_372, %add3A_373 : i32
          %mul3A_375 = arith.constant 16 : i32
          %mul3A_376 = arith.muli %add3A_374, %mul3A_375 : i32
          %get3A_377 = arith.index_cast %mul3A_376 : i32 to index
          %get3A_378 = tpu.vector_load %arg6[%get3A_377] {strides = array<i32>} : memref<2048xi32, #tpu.memory_space<vmem>>, vector<16xi32>,
          %get3A_379 = vector.shape_cast %get3A_378 : vector<16xi32> to vector<16xi32>
          %gt3A_380 = arith.cmpi sgt, %get3A_379, %add3A_263 : vector<16xi32>
          %jit3A_381 = arith.constant 1 : i32
          %jit3A_382 = arith.constant 0 : i32
          %broadcast_in_dim3A_383 = vector.broadcast %jit3A_381 : i32 to vector<16xi32>
          %broadcast_in_dim3A_384 = vector.broadcast %jit3A_382 : i32 to vector<16xi32>
          %select_n3A_385 = arith.select %gt3A_380, %broadcast_in_dim3A_383, %broadcast_in_dim3A_384 : vector<16xi1>, vector<16xi32>
          %add3A_386 = arith.addi %add3A_370, %select_n3A_385 : vector<16xi32>
          %mul3A_387 = arith.constant 4 : i32
          %mul3A_388 = arith.muli %mul3A_387, %scan3A_337 : i32
          %add3A_389 = arith.constant 3 : i32
          %add3A_390 = arith.addi %mul3A_388, %add3A_389 : i32
          %mul3A_391 = arith.constant 16 : i32
          %mul3A_392 = arith.muli %add3A_390, %mul3A_391 : i32
          %get3A_393 = arith.index_cast %mul3A_392 : i32 to index
          %get3A_394 = tpu.vector_load %arg6[%get3A_393] {strides = array<i32>} : memref<2048xi32, #tpu.memory_space<vmem>>, vector<16xi32>,
          %get3A_395 = vector.shape_cast %get3A_394 : vector<16xi32> to vector<16xi32>
          %gt3A_396 = arith.cmpi sgt, %get3A_395, %add3A_263 : vector<16xi32>
          %jit3A_397 = arith.constant 1 : i32
          %jit3A_398 = arith.constant 0 : i32
          %broadcast_in_dim3A_399 = vector.broadcast %jit3A_397 : i32 to vector<16xi32>
          %broadcast_in_dim3A_400 = vector.broadcast %jit3A_398 : i32 to vector<16xi32>
          %select_n3A_401 = arith.select %gt3A_396, %broadcast_in_dim3A_399, %broadcast_in_dim3A_400 : vector<16xi1>, vector<16xi32>
          %add3A_402 = arith.addi %add3A_386, %select_n3A_401 : vector<16xi32>
          %get3A_403 = arith.constant 0 : index
          %get3A_404 = tpu.vector_load %arg10[%get3A_403] {strides = array<i32>} : memref<16xi32, #tpu.memory_space<vmem>>, vector<16xi32>,
          %get3A_405 = vector.shape_cast %get3A_404 : vector<16xi32> to vector<16xi32>
          %add3A_406 = arith.addi %get3A_405, %add3A_402 : vector<16xi32>
          %swap3A_407 = arith.constant 0 : index
          %swap3A_408 = tpu.vector_load %arg10[%swap3A_407] {strides = array<i32>} : memref<16xi32, #tpu.memory_space<vmem>>, vector<16xi32>,
          %swap3A_409 = vector.shape_cast %swap3A_408 : vector<16xi32> to vector<16xi32>
          %swap3A_410 = vector.shape_cast %add3A_406 : vector<16xi32> to vector<16xi32>
          tpu.vector_store %arg10[%swap3A_407], %swap3A_410 {strides = array<i32>} : memref<16xi32, #tpu.memory_space<vmem>>, vector<16xi32>,
        }
        %scan3A_275 = arith.constant 32 : i32
        %get3A_276 = arith.constant 0 : index
        %get3A_277 = tpu.vector_load %arg10[%get3A_276] {strides = array<i32>} : memref<16xi32, #tpu.memory_space<vmem>>, vector<16xi32>,
        %get3A_278 = vector.shape_cast %get3A_277 : vector<16xi32> to vector<16xi32>
        %swap3A_279 = arith.constant 0 : index
        %swap3A_280 = tpu.vector_load %arg8[%swap3A_279] {strides = array<i32>} : memref<32xi32, #tpu.memory_space<vmem>>, vector<16xi32>,
        %swap3A_281 = vector.shape_cast %swap3A_280 : vector<16xi32> to vector<16xi32>
        %swap3A_282 = vector.shape_cast %get3A_278 : vector<16xi32> to vector<16xi32>
        tpu.vector_store %arg8[%swap3A_279], %swap3A_282 {strides = array<i32>} : memref<32xi32, #tpu.memory_space<vmem>>, vector<16xi32>,
        %swap3A_283 = arith.constant 16 : index
        %swap3A_284 = tpu.vector_load %arg8[%swap3A_283] {strides = array<i32>} : memref<32xi32, #tpu.memory_space<vmem>>, vector<16xi32>,
        %swap3A_285 = vector.shape_cast %swap3A_284 : vector<16xi32> to vector<16xi32>
        %swap3A_286 = vector.shape_cast %get3A_278 : vector<16xi32> to vector<16xi32>
        tpu.vector_store %arg8[%swap3A_283], %swap3A_286 {strides = array<i32>} : memref<32xi32, #tpu.memory_space<vmem>>, vector<16xi32>,
        %get3A_287 = arith.constant 1 : index
        %get3A_288 = tpu.vector_load %arg8[%get3A_287] {strides = array<i32>} : memref<32xi32, #tpu.memory_space<vmem>>, vector<16xi32>,
        %get3A_289 = vector.shape_cast %get3A_288 : vector<16xi32> to vector<16xi32>
        %add3A_290 = arith.addi %get3A_278, %get3A_289 : vector<16xi32>
        %swap3A_291 = arith.constant 0 : index
        %swap3A_292 = tpu.vector_load %arg8[%swap3A_291] {strides = array<i32>} : memref<32xi32, #tpu.memory_space<vmem>>, vector<16xi32>,
        %swap3A_293 = vector.shape_cast %swap3A_292 : vector<16xi32> to vector<16xi32>
        %swap3A_294 = vector.shape_cast %add3A_290 : vector<16xi32> to vector<16xi32>
        tpu.vector_store %arg8[%swap3A_291], %swap3A_294 {strides = array<i32>} : memref<32xi32, #tpu.memory_space<vmem>>, vector<16xi32>,
        %swap3A_295 = arith.constant 16 : index
        %swap3A_296 = tpu.vector_load %arg8[%swap3A_295] {strides = array<i32>} : memref<32xi32, #tpu.memory_space<vmem>>, vector<16xi32>,
        %swap3A_297 = vector.shape_cast %swap3A_296 : vector<16xi32> to vector<16xi32>
        %swap3A_298 = vector.shape_cast %add3A_290 : vector<16xi32> to vector<16xi32>
        tpu.vector_store %arg8[%swap3A_295], %swap3A_298 {strides = array<i32>} : memref<32xi32, #tpu.memory_space<vmem>>, vector<16xi32>,
        %get3A_299 = arith.constant 2 : index
        %get3A_300 = tpu.vector_load %arg8[%get3A_299] {strides = array<i32>} : memref<32xi32, #tpu.memory_space<vmem>>, vector<16xi32>,
        %get3A_301 = vector.shape_cast %get3A_300 : vector<16xi32> to vector<16xi32>
        %add3A_302 = arith.addi %add3A_290, %get3A_301 : vector<16xi32>
        %swap3A_303 = arith.constant 0 : index
        %swap3A_304 = tpu.vector_load %arg8[%swap3A_303] {strides = array<i32>} : memref<32xi32, #tpu.memory_space<vmem>>, vector<16xi32>,
        %swap3A_305 = vector.shape_cast %swap3A_304 : vector<16xi32> to vector<16xi32>
        %swap3A_306 = vector.shape_cast %add3A_302 : vector<16xi32> to vector<16xi32>
        tpu.vector_store %arg8[%swap3A_303], %swap3A_306 {strides = array<i32>} : memref<32xi32, #tpu.memory_space<vmem>>, vector<16xi32>,
        %swap3A_307 = arith.constant 16 : index
        %swap3A_308 = tpu.vector_load %arg8[%swap3A_307] {strides = array<i32>} : memref<32xi32, #tpu.memory_space<vmem>>, vector<16xi32>,
        %swap3A_309 = vector.shape_cast %swap3A_308 : vector<16xi32> to vector<16xi32>
        %swap3A_310 = vector.shape_cast %add3A_302 : vector<16xi32> to vector<16xi32>
        tpu.vector_store %arg8[%swap3A_307], %swap3A_310 {strides = array<i32>} : memref<32xi32, #tpu.memory_space<vmem>>, vector<16xi32>,
        %get3A_311 = arith.constant 4 : index
        %get3A_312 = tpu.vector_load %arg8[%get3A_311] {strides = array<i32>} : memref<32xi32, #tpu.memory_space<vmem>>, vector<16xi32>,
        %get3A_313 = vector.shape_cast %get3A_312 : vector<16xi32> to vector<16xi32>
        %add3A_314 = arith.addi %add3A_302, %get3A_313 : vector<16xi32>
        %swap3A_315 = arith.constant 0 : index
        %swap3A_316 = tpu.vector_load %arg8[%swap3A_315] {strides = array<i32>} : memref<32xi32, #tpu.memory_space<vmem>>, vector<16xi32>,
        %swap3A_317 = vector.shape_cast %swap3A_316 : vector<16xi32> to vector<16xi32>
        %swap3A_318 = vector.shape_cast %add3A_314 : vector<16xi32> to vector<16xi32>
        tpu.vector_store %arg8[%swap3A_315], %swap3A_318 {strides = array<i32>} : memref<32xi32, #tpu.memory_space<vmem>>, vector<16xi32>,
        %swap3A_319 = arith.constant 16 : index
        %swap3A_320 = tpu.vector_load %arg8[%swap3A_319] {strides = array<i32>} : memref<32xi32, #tpu.memory_space<vmem>>, vector<16xi32>,
        %swap3A_321 = vector.shape_cast %swap3A_320 : vector<16xi32> to vector<16xi32>
        %swap3A_322 = vector.shape_cast %add3A_314 : vector<16xi32> to vector<16xi32>
        tpu.vector_store %arg8[%swap3A_319], %swap3A_322 {strides = array<i32>} : memref<32xi32, #tpu.memory_space<vmem>>, vector<16xi32>,
        %get3A_323 = arith.constant 8 : index
        %get3A_324 = tpu.vector_load %arg8[%get3A_323] {strides = array<i32>} : memref<32xi32, #tpu.memory_space<vmem>>, vector<16xi32>,
        %get3A_325 = vector.shape_cast %get3A_324 : vector<16xi32> to vector<16xi32>
        %add3A_326 = arith.addi %add3A_314, %get3A_325 : vector<16xi32>
        %ge3A = arith.cmpi sge, %add3A_326, %shift_right_arithmetic3A_124 : vector<16xi32>
        %select_n3A_327 = arith.select %ge3A, %add3A_263, %get3A_256 : vector<16xi1>, vector<16xi32>
        %swap3A_328 = arith.constant 0 : index
        %swap3A_329 = tpu.vector_load %arg11[%swap3A_328] {strides = array<i32>} : memref<32xi32, #tpu.memory_space<vmem>>, vector<16xi32>,
        %swap3A_330 = vector.shape_cast %swap3A_329 : vector<16xi32> to vector<16xi32>
        %swap3A_331 = vector.shape_cast %select_n3A_327 : vector<16xi32> to vector<16xi32>
        tpu.vector_store %arg11[%swap3A_328], %swap3A_331 {strides = array<i32>} : memref<32xi32, #tpu.memory_space<vmem>>, vector<16xi32>,
        %select_n3A_332 = arith.select %ge3A, %get3A_259, %add3A_263 : vector<16xi1>, vector<16xi32>
        %swap3A_333 = arith.constant 16 : index
        %swap3A_334 = tpu.vector_load %arg11[%swap3A_333] {strides = array<i32>} : memref<32xi32, #tpu.memory_space<vmem>>, vector<16xi32>,
        %swap3A_335 = vector.shape_cast %swap3A_334 : vector<16xi32> to vector<16xi32>
        %swap3A_336 = vector.shape_cast %select_n3A_332 : vector<16xi32> to vector<16xi32>
        tpu.vector_store %arg11[%swap3A_333], %swap3A_336 {strides = array<i32>} : memref<32xi32, #tpu.memory_space<vmem>>, vector<16xi32>,
      }
      %scan3A_147 = arith.constant 33 : i32
      %get3A_148 = arith.constant 16 : index
      %get3A_149 = tpu.vector_load %arg11[%get3A_148] {strides = array<i32>} : memref<32xi32, #tpu.memory_space<vmem>>, vector<16xi32>,
      %get3A_150 = vector.shape_cast %get3A_149 : vector<16xi32> to vector<16xi32>
      %broadcast_in_dim3A_151 = arith.constant 0 : i32
      %broadcast_in_dim3A_152 = vector.broadcast %broadcast_in_dim3A_151 : i32 to vector<16xi32>
      %swap3A_153 = arith.constant 0 : index
      %swap3A_154 = tpu.vector_load %arg10[%swap3A_153] {strides = array<i32>} : memref<16xi32, #tpu.memory_space<vmem>>, vector<16xi32>,
      %swap3A_155 = vector.shape_cast %swap3A_154 : vector<16xi32> to vector<16xi32>
      %swap3A_156 = vector.shape_cast %broadcast_in_dim3A_152 : vector<16xi32> to vector<16xi32>
      tpu.vector_store %arg10[%swap3A_153], %swap3A_156 {strides = array<i32>} : memref<16xi32, #tpu.memory_space<vmem>>, vector<16xi32>,
      %scan3A_157 = arith.constant 0 : i32
      %scan3A_158 = arith.constant 0 : i32
      %scan3A_159 = arith.constant 32 : i32
      %scan3A_160 = arith.addi %scan3A_158, %scan3A_159 : i32
      %scan3A_161 = arith.constant 1 : i32
      scf.for %scan3A_253 = %scan3A_158 to %scan3A_160 step %scan3A_161  : i32 {
        %broadcast_in_dim3A_254 = arith.constant 0 : i32
        %broadcast_in_dim3A_255 = vector.broadcast %broadcast_in_dim3A_254 : i32 to vector<16xi32>
        %mul3A_256 = arith.constant 4 : i32
        %mul3A_257 = arith.muli %mul3A_256, %scan3A_253 : i32
        %add3A_258 = arith.constant 0 : i32
        %add3A_259 = arith.addi %mul3A_257, %add3A_258 : i32
        %mul3A_260 = arith.constant 16 : i32
        %mul3A_261 = arith.muli %add3A_259, %mul3A_260 : i32
        %get3A_262 = arith.index_cast %mul3A_261 : i32 to index
        %get3A_263 = tpu.vector_load %arg6[%get3A_262] {strides = array<i32>} : memref<2048xi32, #tpu.memory_space<vmem>>, vector<16xi32>,
        %get3A_264 = vector.shape_cast %get3A_263 : vector<16xi32> to vector<16xi32>
        %gt3A = arith.cmpi sgt, %get3A_264, %get3A_150 : vector<16xi32>
        %jit3A_265 = arith.constant 1 : i32
        %jit3A_266 = arith.constant 0 : i32
        %broadcast_in_dim3A_267 = vector.broadcast %jit3A_265 : i32 to vector<16xi32>
        %broadcast_in_dim3A_268 = vector.broadcast %jit3A_266 : i32 to vector<16xi32>
        %select_n3A_269 = arith.select %gt3A, %broadcast_in_dim3A_267, %broadcast_in_dim3A_268 : vector<16xi1>, vector<16xi32>
        %add3A_270 = arith.addi %broadcast_in_dim3A_255, %select_n3A_269 : vector<16xi32>
        %mul3A_271 = arith.constant 4 : i32
        %mul3A_272 = arith.muli %mul3A_271, %scan3A_253 : i32
        %add3A_273 = arith.constant 1 : i32
        %add3A_274 = arith.addi %mul3A_272, %add3A_273 : i32
        %mul3A_275 = arith.constant 16 : i32
        %mul3A_276 = arith.muli %add3A_274, %mul3A_275 : i32
        %get3A_277 = arith.index_cast %mul3A_276 : i32 to index
        %get3A_278 = tpu.vector_load %arg6[%get3A_277] {strides = array<i32>} : memref<2048xi32, #tpu.memory_space<vmem>>, vector<16xi32>,
        %get3A_279 = vector.shape_cast %get3A_278 : vector<16xi32> to vector<16xi32>
        %gt3A_280 = arith.cmpi sgt, %get3A_279, %get3A_150 : vector<16xi32>
        %jit3A_281 = arith.constant 1 : i32
        %jit3A_282 = arith.constant 0 : i32
        %broadcast_in_dim3A_283 = vector.broadcast %jit3A_281 : i32 to vector<16xi32>
        %broadcast_in_dim3A_284 = vector.broadcast %jit3A_282 : i32 to vector<16xi32>
        %select_n3A_285 = arith.select %gt3A_280, %broadcast_in_dim3A_283, %broadcast_in_dim3A_284 : vector<16xi1>, vector<16xi32>
        %add3A_286 = arith.addi %add3A_270, %select_n3A_285 : vector<16xi32>
        %mul3A_287 = arith.constant 4 : i32
        %mul3A_288 = arith.muli %mul3A_287, %scan3A_253 : i32
        %add3A_289 = arith.constant 2 : i32
        %add3A_290 = arith.addi %mul3A_288, %add3A_289 : i32
        %mul3A_291 = arith.constant 16 : i32
        %mul3A_292 = arith.muli %add3A_290, %mul3A_291 : i32
        %get3A_293 = arith.index_cast %mul3A_292 : i32 to index
        %get3A_294 = tpu.vector_load %arg6[%get3A_293] {strides = array<i32>} : memref<2048xi32, #tpu.memory_space<vmem>>, vector<16xi32>,
        %get3A_295 = vector.shape_cast %get3A_294 : vector<16xi32> to vector<16xi32>
        %gt3A_296 = arith.cmpi sgt, %get3A_295, %get3A_150 : vector<16xi32>
        %jit3A_297 = arith.constant 1 : i32
        %jit3A_298 = arith.constant 0 : i32
        %broadcast_in_dim3A_299 = vector.broadcast %jit3A_297 : i32 to vector<16xi32>
        %broadcast_in_dim3A_300 = vector.broadcast %jit3A_298 : i32 to vector<16xi32>
        %select_n3A_301 = arith.select %gt3A_296, %broadcast_in_dim3A_299, %broadcast_in_dim3A_300 : vector<16xi1>, vector<16xi32>
        %add3A_302 = arith.addi %add3A_286, %select_n3A_301 : vector<16xi32>
        %mul3A_303 = arith.constant 4 : i32
        %mul3A_304 = arith.muli %mul3A_303, %scan3A_253 : i32
        %add3A_305 = arith.constant 3 : i32
        %add3A_306 = arith.addi %mul3A_304, %add3A_305 : i32
        %mul3A_307 = arith.constant 16 : i32
        %mul3A_308 = arith.muli %add3A_306, %mul3A_307 : i32
        %get3A_309 = arith.index_cast %mul3A_308 : i32 to index
        %get3A_310 = tpu.vector_load %arg6[%get3A_309] {strides = array<i32>} : memref<2048xi32, #tpu.memory_space<vmem>>, vector<16xi32>,
        %get3A_311 = vector.shape_cast %get3A_310 : vector<16xi32> to vector<16xi32>
        %gt3A_312 = arith.cmpi sgt, %get3A_311, %get3A_150 : vector<16xi32>
        %jit3A_313 = arith.constant 1 : i32
        %jit3A_314 = arith.constant 0 : i32
        %broadcast_in_dim3A_315 = vector.broadcast %jit3A_313 : i32 to vector<16xi32>
        %broadcast_in_dim3A_316 = vector.broadcast %jit3A_314 : i32 to vector<16xi32>
        %select_n3A_317 = arith.select %gt3A_312, %broadcast_in_dim3A_315, %broadcast_in_dim3A_316 : vector<16xi1>, vector<16xi32>
        %add3A_318 = arith.addi %add3A_302, %select_n3A_317 : vector<16xi32>
        %get3A_319 = arith.constant 0 : index
        %get3A_320 = tpu.vector_load %arg10[%get3A_319] {strides = array<i32>} : memref<16xi32, #tpu.memory_space<vmem>>, vector<16xi32>,
        %get3A_321 = vector.shape_cast %get3A_320 : vector<16xi32> to vector<16xi32>
        %add3A_322 = arith.addi %get3A_321, %add3A_318 : vector<16xi32>
        %swap3A_323 = arith.constant 0 : index
        %swap3A_324 = tpu.vector_load %arg10[%swap3A_323] {strides = array<i32>} : memref<16xi32, #tpu.memory_space<vmem>>, vector<16xi32>,
        %swap3A_325 = vector.shape_cast %swap3A_324 : vector<16xi32> to vector<16xi32>
        %swap3A_326 = vector.shape_cast %add3A_322 : vector<16xi32> to vector<16xi32>
        tpu.vector_store %arg10[%swap3A_323], %swap3A_326 {strides = array<i32>} : memref<16xi32, #tpu.memory_space<vmem>>, vector<16xi32>,
      }
      %scan3A_162 = arith.constant 32 : i32
      %get3A_163 = arith.constant 0 : index
      %get3A_164 = tpu.vector_load %arg10[%get3A_163] {strides = array<i32>} : memref<16xi32, #tpu.memory_space<vmem>>, vector<16xi32>,
      %get3A_165 = vector.shape_cast %get3A_164 : vector<16xi32> to vector<16xi32>
      %swap3A_166 = arith.constant 0 : index
      %swap3A_167 = tpu.vector_load %arg8[%swap3A_166] {strides = array<i32>} : memref<32xi32, #tpu.memory_space<vmem>>, vector<16xi32>,
      %swap3A_168 = vector.shape_cast %swap3A_167 : vector<16xi32> to vector<16xi32>
      %swap3A_169 = vector.shape_cast %get3A_165 : vector<16xi32> to vector<16xi32>
      tpu.vector_store %arg8[%swap3A_166], %swap3A_169 {strides = array<i32>} : memref<32xi32, #tpu.memory_space<vmem>>, vector<16xi32>,
      %swap3A_170 = arith.constant 16 : index
      %swap3A_171 = tpu.vector_load %arg8[%swap3A_170] {strides = array<i32>} : memref<32xi32, #tpu.memory_space<vmem>>, vector<16xi32>,
      %swap3A_172 = vector.shape_cast %swap3A_171 : vector<16xi32> to vector<16xi32>
      %swap3A_173 = vector.shape_cast %get3A_165 : vector<16xi32> to vector<16xi32>
      tpu.vector_store %arg8[%swap3A_170], %swap3A_173 {strides = array<i32>} : memref<32xi32, #tpu.memory_space<vmem>>, vector<16xi32>,
      %get3A_174 = arith.constant 1 : index
      %get3A_175 = tpu.vector_load %arg8[%get3A_174] {strides = array<i32>} : memref<32xi32, #tpu.memory_space<vmem>>, vector<16xi32>,
      %get3A_176 = vector.shape_cast %get3A_175 : vector<16xi32> to vector<16xi32>
      %add3A_177 = arith.addi %get3A_165, %get3A_176 : vector<16xi32>
      %swap3A_178 = arith.constant 0 : index
      %swap3A_179 = tpu.vector_load %arg8[%swap3A_178] {strides = array<i32>} : memref<32xi32, #tpu.memory_space<vmem>>, vector<16xi32>,
      %swap3A_180 = vector.shape_cast %swap3A_179 : vector<16xi32> to vector<16xi32>
      %swap3A_181 = vector.shape_cast %add3A_177 : vector<16xi32> to vector<16xi32>
      tpu.vector_store %arg8[%swap3A_178], %swap3A_181 {strides = array<i32>} : memref<32xi32, #tpu.memory_space<vmem>>, vector<16xi32>,
      %swap3A_182 = arith.constant 16 : index
      %swap3A_183 = tpu.vector_load %arg8[%swap3A_182] {strides = array<i32>} : memref<32xi32, #tpu.memory_space<vmem>>, vector<16xi32>,
      %swap3A_184 = vector.shape_cast %swap3A_183 : vector<16xi32> to vector<16xi32>
      %swap3A_185 = vector.shape_cast %add3A_177 : vector<16xi32> to vector<16xi32>
      tpu.vector_store %arg8[%swap3A_182], %swap3A_185 {strides = array<i32>} : memref<32xi32, #tpu.memory_space<vmem>>, vector<16xi32>,
      %get3A_186 = arith.constant 2 : index
      %get3A_187 = tpu.vector_load %arg8[%get3A_186] {strides = array<i32>} : memref<32xi32, #tpu.memory_space<vmem>>, vector<16xi32>,
      %get3A_188 = vector.shape_cast %get3A_187 : vector<16xi32> to vector<16xi32>
      %add3A_189 = arith.addi %add3A_177, %get3A_188 : vector<16xi32>
      %swap3A_190 = arith.constant 0 : index
      %swap3A_191 = tpu.vector_load %arg8[%swap3A_190] {strides = array<i32>} : memref<32xi32, #tpu.memory_space<vmem>>, vector<16xi32>,
      %swap3A_192 = vector.shape_cast %swap3A_191 : vector<16xi32> to vector<16xi32>
      %swap3A_193 = vector.shape_cast %add3A_189 : vector<16xi32> to vector<16xi32>
      tpu.vector_store %arg8[%swap3A_190], %swap3A_193 {strides = array<i32>} : memref<32xi32, #tpu.memory_space<vmem>>, vector<16xi32>,
      %swap3A_194 = arith.constant 16 : index
      %swap3A_195 = tpu.vector_load %arg8[%swap3A_194] {strides = array<i32>} : memref<32xi32, #tpu.memory_space<vmem>>, vector<16xi32>,
      %swap3A_196 = vector.shape_cast %swap3A_195 : vector<16xi32> to vector<16xi32>
      %swap3A_197 = vector.shape_cast %add3A_189 : vector<16xi32> to vector<16xi32>
      tpu.vector_store %arg8[%swap3A_194], %swap3A_197 {strides = array<i32>} : memref<32xi32, #tpu.memory_space<vmem>>, vector<16xi32>,
      %get3A_198 = arith.constant 4 : index
      %get3A_199 = tpu.vector_load %arg8[%get3A_198] {strides = array<i32>} : memref<32xi32, #tpu.memory_space<vmem>>, vector<16xi32>,
      %get3A_200 = vector.shape_cast %get3A_199 : vector<16xi32> to vector<16xi32>
      %add3A_201 = arith.addi %add3A_189, %get3A_200 : vector<16xi32>
      %swap3A_202 = arith.constant 0 : index
      %swap3A_203 = tpu.vector_load %arg8[%swap3A_202] {strides = array<i32>} : memref<32xi32, #tpu.memory_space<vmem>>, vector<16xi32>,
      %swap3A_204 = vector.shape_cast %swap3A_203 : vector<16xi32> to vector<16xi32>
      %swap3A_205 = vector.shape_cast %add3A_201 : vector<16xi32> to vector<16xi32>
      tpu.vector_store %arg8[%swap3A_202], %swap3A_205 {strides = array<i32>} : memref<32xi32, #tpu.memory_space<vmem>>, vector<16xi32>,
      %swap3A_206 = arith.constant 16 : index
      %swap3A_207 = tpu.vector_load %arg8[%swap3A_206] {strides = array<i32>} : memref<32xi32, #tpu.memory_space<vmem>>, vector<16xi32>,
      %swap3A_208 = vector.shape_cast %swap3A_207 : vector<16xi32> to vector<16xi32>
      %swap3A_209 = vector.shape_cast %add3A_201 : vector<16xi32> to vector<16xi32>
      tpu.vector_store %arg8[%swap3A_206], %swap3A_209 {strides = array<i32>} : memref<32xi32, #tpu.memory_space<vmem>>, vector<16xi32>,
      %get3A_210 = arith.constant 8 : index
      %get3A_211 = tpu.vector_load %arg8[%get3A_210] {strides = array<i32>} : memref<32xi32, #tpu.memory_space<vmem>>, vector<16xi32>,
      %get3A_212 = vector.shape_cast %get3A_211 : vector<16xi32> to vector<16xi32>
      %add3A_213 = arith.addi %add3A_201, %get3A_212 : vector<16xi32>
      %sub3A = arith.subi %shift_right_arithmetic3A_124, %add3A_213 : vector<16xi32>
      %broadcast_in_dim3A_214 = arith.constant 0 : i32
      %broadcast_in_dim3A_215 = vector.broadcast %broadcast_in_dim3A_214 : i32 to vector<16xi32>
      %swap3A_216 = arith.constant 0 : index
      %swap3A_217 = tpu.vector_load %arg11[%swap3A_216] {strides = array<i32>} : memref<32xi32, #tpu.memory_space<vmem>>, vector<16xi32>,
      %swap3A_218 = vector.shape_cast %swap3A_217 : vector<16xi32> to vector<16xi32>
      %swap3A_219 = vector.shape_cast %broadcast_in_dim3A_215 : vector<16xi32> to vector<16xi32>
      tpu.vector_store %arg11[%swap3A_216], %swap3A_219 {strides = array<i32>} : memref<32xi32, #tpu.memory_space<vmem>>, vector<16xi32>,
      %broadcast_in_dim3A_220 = arith.constant 2049 : i32
      %broadcast_in_dim3A_221 = vector.broadcast %broadcast_in_dim3A_220 : i32 to vector<16xi32>
      %swap3A_222 = arith.constant 16 : index
      %swap3A_223 = tpu.vector_load %arg11[%swap3A_222] {strides = array<i32>} : memref<32xi32, #tpu.memory_space<vmem>>, vector<16xi32>,
      %swap3A_224 = vector.shape_cast %swap3A_223 : vector<16xi32> to vector<16xi32>
      %swap3A_225 = vector.shape_cast %broadcast_in_dim3A_221 : vector<16xi32> to vector<16xi32>
      tpu.vector_store %arg11[%swap3A_222], %swap3A_225 {strides = array<i32>} : memref<32xi32, #tpu.memory_space<vmem>>, vector<16xi32>,
      %scan3A_226 = arith.constant 0 : i32
      %scan3A_227 = arith.constant 0 : i32
      %scan3A_228 = arith.constant 13 : i32
      %scan3A_229 = arith.addi %scan3A_227, %scan3A_228 : i32
      %scan3A_230 = arith.constant 1 : i32
      scf.for %scan3A_253 = %scan3A_227 to %scan3A_229 step %scan3A_230  : i32 {
        %get3A_254 = arith.constant 0 : index
        %get3A_255 = tpu.vector_load %arg11[%get3A_254] {strides = array<i32>} : memref<32xi32, #tpu.memory_space<vmem>>, vector<16xi32>,
        %get3A_256 = vector.shape_cast %get3A_255 : vector<16xi32> to vector<16xi32>
        %get3A_257 = arith.constant 16 : index
        %get3A_258 = tpu.vector_load %arg11[%get3A_257] {strides = array<i32>} : memref<32xi32, #tpu.memory_space<vmem>>, vector<16xi32>,
        %get3A_259 = vector.shape_cast %get3A_258 : vector<16xi32> to vector<16xi32>
        %add3A_260 = arith.addi %get3A_256, %get3A_259 : vector<16xi32>
        %shift_right_arithmetic3A_261 = arith.constant 1 : i32
        %shift_right_arithmetic3A_262 = vector.broadcast %shift_right_arithmetic3A_261 : i32 to vector<16xi32>
        %shift_right_arithmetic3A_263 = arith.shrsi %add3A_260, %shift_right_arithmetic3A_262 : vector<16xi32>
        %broadcast_in_dim3A_264 = arith.constant 0 : i32
        %broadcast_in_dim3A_265 = vector.broadcast %broadcast_in_dim3A_264 : i32 to vector<16xi32>
        %swap3A_266 = arith.constant 0 : index
        %swap3A_267 = tpu.vector_load %arg10[%swap3A_266] {strides = array<i32>} : memref<16xi32, #tpu.memory_space<vmem>>, vector<16xi32>,
        %swap3A_268 = vector.shape_cast %swap3A_267 : vector<16xi32> to vector<16xi32>
        %swap3A_269 = vector.shape_cast %broadcast_in_dim3A_265 : vector<16xi32> to vector<16xi32>
        tpu.vector_store %arg10[%swap3A_266], %swap3A_269 {strides = array<i32>} : memref<16xi32, #tpu.memory_space<vmem>>, vector<16xi32>,
        %scan3A_270 = arith.constant 0 : i32
        %scan3A_271 = arith.constant 0 : i32
        %scan3A_272 = arith.constant 128 : i32
        %scan3A_273 = arith.addi %scan3A_271, %scan3A_272 : i32
        %scan3A_274 = arith.constant 1 : i32
        scf.for %scan3A_345 = %scan3A_271 to %scan3A_273 step %scan3A_274  : i32 {
          %mul3A_346 = arith.constant 16 : i32
          %mul3A_347 = arith.muli %scan3A_345, %mul3A_346 : i32
          %get3A_348 = arith.index_cast %mul3A_347 : i32 to index
          %get3A_349 = tpu.vector_load %arg6[%get3A_348] {strides = array<i32>} : memref<2048xi32, #tpu.memory_space<vmem>>, vector<16xi32>,
          %get3A_350 = vector.shape_cast %get3A_349 : vector<16xi32> to vector<16xi32>
          %eq3A_351 = arith.cmpi eq, %get3A_350, %get3A_150 : vector<16xi32>
          %mul3A_352 = arith.constant 16 : i32
          %mul3A_353 = arith.muli %scan3A_345, %mul3A_352 : i32
          %add3A_354 = vector.broadcast %mul3A_353 : i32 to vector<16xi32>
          %add3A_355 = arith.addi %iota3A, %add3A_354 : vector<16xi32>
          %lt3A_356 = arith.cmpi slt, %add3A_355, %shift_right_arithmetic3A_263 : vector<16xi32>
          %and3A = arith.andi %eq3A_351, %lt3A_356 : vector<16xi1>
          %get3A_357 = arith.constant 0 : index
          %get3A_358 = tpu.vector_load %arg10[%get3A_357] {strides = array<i32>} : memref<16xi32, #tpu.memory_space<vmem>>, vector<16xi32>,
          %get3A_359 = vector.shape_cast %get3A_358 : vector<16xi32> to vector<16xi32>
          %jit3A_360 = arith.constant 1 : i32
          %jit3A_361 = arith.constant 0 : i32
          %broadcast_in_dim3A_362 = vector.broadcast %jit3A_360 : i32 to vector<16xi32>
          %broadcast_in_dim3A_363 = vector.broadcast %jit3A_361 : i32 to vector<16xi32>
          %select_n3A_364 = arith.select %and3A, %broadcast_in_dim3A_362, %broadcast_in_dim3A_363 : vector<16xi1>, vector<16xi32>
          %add3A_365 = arith.addi %get3A_359, %select_n3A_364 : vector<16xi32>
          %swap3A_366 = arith.constant 0 : index
          %swap3A_367 = tpu.vector_load %arg10[%swap3A_366] {strides = array<i32>} : memref<16xi32, #tpu.memory_space<vmem>>, vector<16xi32>,
          %swap3A_368 = vector.shape_cast %swap3A_367 : vector<16xi32> to vector<16xi32>
          %swap3A_369 = vector.shape_cast %add3A_365 : vector<16xi32> to vector<16xi32>
          tpu.vector_store %arg10[%swap3A_366], %swap3A_369 {strides = array<i32>} : memref<16xi32, #tpu.memory_space<vmem>>, vector<16xi32>,
        }
        %scan3A_275 = arith.constant 128 : i32
        %get3A_276 = arith.constant 0 : index
        %get3A_277 = tpu.vector_load %arg10[%get3A_276] {strides = array<i32>} : memref<16xi32, #tpu.memory_space<vmem>>, vector<16xi32>,
        %get3A_278 = vector.shape_cast %get3A_277 : vector<16xi32> to vector<16xi32>
        %swap3A_279 = arith.constant 0 : index
        %swap3A_280 = tpu.vector_load %arg8[%swap3A_279] {strides = array<i32>} : memref<32xi32, #tpu.memory_space<vmem>>, vector<16xi32>,
        %swap3A_281 = vector.shape_cast %swap3A_280 : vector<16xi32> to vector<16xi32>
        %swap3A_282 = vector.shape_cast %get3A_278 : vector<16xi32> to vector<16xi32>
        tpu.vector_store %arg8[%swap3A_279], %swap3A_282 {strides = array<i32>} : memref<32xi32, #tpu.memory_space<vmem>>, vector<16xi32>,
        %swap3A_283 = arith.constant 16 : index
        %swap3A_284 = tpu.vector_load %arg8[%swap3A_283] {strides = array<i32>} : memref<32xi32, #tpu.memory_space<vmem>>, vector<16xi32>,
        %swap3A_285 = vector.shape_cast %swap3A_284 : vector<16xi32> to vector<16xi32>
        %swap3A_286 = vector.shape_cast %get3A_278 : vector<16xi32> to vector<16xi32>
        tpu.vector_store %arg8[%swap3A_283], %swap3A_286 {strides = array<i32>} : memref<32xi32, #tpu.memory_space<vmem>>, vector<16xi32>,
        %get3A_287 = arith.constant 1 : index
        %get3A_288 = tpu.vector_load %arg8[%get3A_287] {strides = array<i32>} : memref<32xi32, #tpu.memory_space<vmem>>, vector<16xi32>,
        %get3A_289 = vector.shape_cast %get3A_288 : vector<16xi32> to vector<16xi32>
        %add3A_290 = arith.addi %get3A_278, %get3A_289 : vector<16xi32>
        %swap3A_291 = arith.constant 0 : index
        %swap3A_292 = tpu.vector_load %arg8[%swap3A_291] {strides = array<i32>} : memref<32xi32, #tpu.memory_space<vmem>>, vector<16xi32>,
        %swap3A_293 = vector.shape_cast %swap3A_292 : vector<16xi32> to vector<16xi32>
        %swap3A_294 = vector.shape_cast %add3A_290 : vector<16xi32> to vector<16xi32>
        tpu.vector_store %arg8[%swap3A_291], %swap3A_294 {strides = array<i32>} : memref<32xi32, #tpu.memory_space<vmem>>, vector<16xi32>,
        %swap3A_295 = arith.constant 16 : index
        %swap3A_296 = tpu.vector_load %arg8[%swap3A_295] {strides = array<i32>} : memref<32xi32, #tpu.memory_space<vmem>>, vector<16xi32>,
        %swap3A_297 = vector.shape_cast %swap3A_296 : vector<16xi32> to vector<16xi32>
        %swap3A_298 = vector.shape_cast %add3A_290 : vector<16xi32> to vector<16xi32>
        tpu.vector_store %arg8[%swap3A_295], %swap3A_298 {strides = array<i32>} : memref<32xi32, #tpu.memory_space<vmem>>, vector<16xi32>,
        %get3A_299 = arith.constant 2 : index
        %get3A_300 = tpu.vector_load %arg8[%get3A_299] {strides = array<i32>} : memref<32xi32, #tpu.memory_space<vmem>>, vector<16xi32>,
        %get3A_301 = vector.shape_cast %get3A_300 : vector<16xi32> to vector<16xi32>
        %add3A_302 = arith.addi %add3A_290, %get3A_301 : vector<16xi32>
        %swap3A_303 = arith.constant 0 : index
        %swap3A_304 = tpu.vector_load %arg8[%swap3A_303] {strides = array<i32>} : memref<32xi32, #tpu.memory_space<vmem>>, vector<16xi32>,
        %swap3A_305 = vector.shape_cast %swap3A_304 : vector<16xi32> to vector<16xi32>
        %swap3A_306 = vector.shape_cast %add3A_302 : vector<16xi32> to vector<16xi32>
        tpu.vector_store %arg8[%swap3A_303], %swap3A_306 {strides = array<i32>} : memref<32xi32, #tpu.memory_space<vmem>>, vector<16xi32>,
        %swap3A_307 = arith.constant 16 : index
        %swap3A_308 = tpu.vector_load %arg8[%swap3A_307] {strides = array<i32>} : memref<32xi32, #tpu.memory_space<vmem>>, vector<16xi32>,
        %swap3A_309 = vector.shape_cast %swap3A_308 : vector<16xi32> to vector<16xi32>
        %swap3A_310 = vector.shape_cast %add3A_302 : vector<16xi32> to vector<16xi32>
        tpu.vector_store %arg8[%swap3A_307], %swap3A_310 {strides = array<i32>} : memref<32xi32, #tpu.memory_space<vmem>>, vector<16xi32>,
        %get3A_311 = arith.constant 4 : index
        %get3A_312 = tpu.vector_load %arg8[%get3A_311] {strides = array<i32>} : memref<32xi32, #tpu.memory_space<vmem>>, vector<16xi32>,
        %get3A_313 = vector.shape_cast %get3A_312 : vector<16xi32> to vector<16xi32>
        %add3A_314 = arith.addi %add3A_302, %get3A_313 : vector<16xi32>
        %swap3A_315 = arith.constant 0 : index
        %swap3A_316 = tpu.vector_load %arg8[%swap3A_315] {strides = array<i32>} : memref<32xi32, #tpu.memory_space<vmem>>, vector<16xi32>,
        %swap3A_317 = vector.shape_cast %swap3A_316 : vector<16xi32> to vector<16xi32>
        %swap3A_318 = vector.shape_cast %add3A_314 : vector<16xi32> to vector<16xi32>
        tpu.vector_store %arg8[%swap3A_315], %swap3A_318 {strides = array<i32>} : memref<32xi32, #tpu.memory_space<vmem>>, vector<16xi32>,
        %swap3A_319 = arith.constant 16 : index
        %swap3A_320 = tpu.vector_load %arg8[%swap3A_319] {strides = array<i32>} : memref<32xi32, #tpu.memory_space<vmem>>, vector<16xi32>,
        %swap3A_321 = vector.shape_cast %swap3A_320 : vector<16xi32> to vector<16xi32>
        %swap3A_322 = vector.shape_cast %add3A_314 : vector<16xi32> to vector<16xi32>
        tpu.vector_store %arg8[%swap3A_319], %swap3A_322 {strides = array<i32>} : memref<32xi32, #tpu.memory_space<vmem>>, vector<16xi32>,
        %get3A_323 = arith.constant 8 : index
        %get3A_324 = tpu.vector_load %arg8[%get3A_323] {strides = array<i32>} : memref<32xi32, #tpu.memory_space<vmem>>, vector<16xi32>,
        %get3A_325 = vector.shape_cast %get3A_324 : vector<16xi32> to vector<16xi32>
        %add3A_326 = arith.addi %add3A_314, %get3A_325 : vector<16xi32>
        %gt3A = arith.constant 2048 : i32
        %gt3A_327 = vector.broadcast %gt3A : i32 to vector<16xi32>
        %gt3A_328 = arith.cmpi sgt, %shift_right_arithmetic3A_263, %gt3A_327 : vector<16xi32>
        %jit3A_329 = arith.constant 1 : i32
        %jit3A_330 = arith.constant 0 : i32
        %broadcast_in_dim3A_331 = vector.broadcast %jit3A_329 : i32 to vector<16xi32>
        %broadcast_in_dim3A_332 = vector.broadcast %jit3A_330 : i32 to vector<16xi32>
        %select_n3A_333 = arith.select %gt3A_328, %broadcast_in_dim3A_331, %broadcast_in_dim3A_332 : vector<16xi1>, vector<16xi32>
        %add3A_334 = arith.addi %add3A_326, %select_n3A_333 : vector<16xi32>
        %le3A = arith.cmpi sle, %add3A_334, %sub3A : vector<16xi32>
        %select_n3A_335 = arith.select %le3A, %shift_right_arithmetic3A_263, %get3A_256 : vector<16xi1>, vector<16xi32>
        %swap3A_336 = arith.constant 0 : index
        %swap3A_337 = tpu.vector_load %arg11[%swap3A_336] {strides = array<i32>} : memref<32xi32, #tpu.memory_space<vmem>>, vector<16xi32>,
        %swap3A_338 = vector.shape_cast %swap3A_337 : vector<16xi32> to vector<16xi32>
        %swap3A_339 = vector.shape_cast %select_n3A_335 : vector<16xi32> to vector<16xi32>
        tpu.vector_store %arg11[%swap3A_336], %swap3A_339 {strides = array<i32>} : memref<32xi32, #tpu.memory_space<vmem>>, vector<16xi32>,
        %select_n3A_340 = arith.select %le3A, %get3A_259, %shift_right_arithmetic3A_263 : vector<16xi1>, vector<16xi32>
        %swap3A_341 = arith.constant 16 : index
        %swap3A_342 = tpu.vector_load %arg11[%swap3A_341] {strides = array<i32>} : memref<32xi32, #tpu.memory_space<vmem>>, vector<16xi32>,
        %swap3A_343 = vector.shape_cast %swap3A_342 : vector<16xi32> to vector<16xi32>
        %swap3A_344 = vector.shape_cast %select_n3A_340 : vector<16xi32> to vector<16xi32>
        tpu.vector_store %arg11[%swap3A_341], %swap3A_344 {strides = array<i32>} : memref<32xi32, #tpu.memory_space<vmem>>, vector<16xi32>,
      }
      %scan3A_231 = arith.constant 13 : i32
      %get3A_232 = arith.constant 0 : index
      %get3A_233 = tpu.vector_load %arg11[%get3A_232] {strides = array<i32>} : memref<32xi32, #tpu.memory_space<vmem>>, vector<16xi32>,
      %get3A_234 = vector.shape_cast %get3A_233 : vector<16xi32> to vector<16xi32>
      %scan3A_235 = arith.constant 0 : i32
      %scan3A_236 = arith.constant 0 : i32
      %scan3A_237 = arith.constant 128 : i32
      %scan3A_238 = arith.addi %scan3A_236, %scan3A_237 : i32
      %scan3A_239 = arith.constant 1 : i32
      scf.for %scan3A_253 = %scan3A_236 to %scan3A_238 step %scan3A_239  : i32 {
        %mul3A_254 = arith.constant 16 : i32
        %mul3A_255 = arith.muli %scan3A_253, %mul3A_254 : i32
        %get3A_256 = arith.index_cast %mul3A_255 : i32 to index
        %get3A_257 = tpu.vector_load %arg6[%get3A_256] {strides = array<i32>} : memref<2048xi32, #tpu.memory_space<vmem>>, vector<16xi32>,
        %get3A_258 = vector.shape_cast %get3A_257 : vector<16xi32> to vector<16xi32>
        %gt3A = arith.cmpi sgt, %get3A_258, %get3A_150 : vector<16xi32>
        %eq3A_259 = arith.cmpi eq, %get3A_258, %get3A_150 : vector<16xi32>
        %mul3A_260 = arith.constant 16 : i32
        %mul3A_261 = arith.muli %scan3A_253, %mul3A_260 : i32
        %add3A_262 = vector.broadcast %mul3A_261 : i32 to vector<16xi32>
        %add3A_263 = arith.addi %iota3A, %add3A_262 : vector<16xi32>
        %lt3A_264 = arith.cmpi slt, %add3A_263, %get3A_234 : vector<16xi32>
        %and3A = arith.andi %eq3A_259, %lt3A_264 : vector<16xi1>
        %or3A = arith.ori %gt3A, %and3A : vector<16xi1>
        %jit3A_265 = arith.constant 1.000000e+00 : f32
        %jit3A_266 = arith.constant 0.000000e+00 : f32
        %broadcast_in_dim3A_267 = vector.broadcast %jit3A_265 : f32 to vector<16xf32>
        %broadcast_in_dim3A_268 = vector.broadcast %jit3A_266 : f32 to vector<16xf32>
        %select_n3A_269 = arith.select %or3A, %broadcast_in_dim3A_267, %broadcast_in_dim3A_268 : vector<16xi1>, vector<16xf32>
        %mul3A_270 = arith.constant 16 : i32
        %mul3A_271 = arith.muli %scan3A_253, %mul3A_270 : i32
        %swap3A_272 = arith.index_cast %mul3A_271 : i32 to index
        %swap3A_273 = tpu.vector_load %arg7[%swap3A_272] {strides = array<i32>} : memref<2048xf32, #tpu.memory_space<vmem>>, vector<16xf32>,
        %swap3A_274 = vector.shape_cast %swap3A_273 : vector<16xf32> to vector<16xf32>
        %swap3A_275 = vector.shape_cast %select_n3A_269 : vector<16xf32> to vector<16xf32>
        tpu.vector_store %arg7[%swap3A_272], %swap3A_275 {strides = array<i32>} : memref<2048xf32, #tpu.memory_space<vmem>>, vector<16xf32>,
      }
      %scan3A_240 = arith.constant 128 : i32
      %dma_start3A_241 = arith.constant 0 : i32
      %dma_start3A_242 = tpu.memref_slice %arg4[%add3A, %dma_start3A_241] : memref<4x2048xf32, #tpu.memory_space<hbm>> -> memref<1x2048xf32, #tpu.memory_space<hbm>>
      %dma_start3A_243 = tpu.memref_squeeze %dma_start3A_242 : memref<1x2048xf32, #tpu.memory_space<hbm>> -> memref<2048xf32, #tpu.memory_space<hbm>>
      %dma_start3A_244 = arith.constant 0 : i32
      %dma_start3A_245 = tpu.memref_slice %arg4[%add3A, %dma_start3A_244] : memref<4x2048xf32, #tpu.memory_space<hbm>> -> memref<1x2048xf32, #tpu.memory_space<hbm>>
      %dma_start3A_246 = tpu.memref_squeeze %dma_start3A_245 : memref<1x2048xf32, #tpu.memory_space<hbm>> -> memref<2048xf32, #tpu.memory_space<hbm>>
      tpu.enqueue_dma source(%arg7 : memref<2048xf32, #tpu.memory_space<vmem>>) target(%dma_start3A_246 : memref<2048xf32, #tpu.memory_space<hbm>>) target_semaphore(%arg12 : memref<!tpu.dma_semaphore, #tpu.memory_space<semaphore_mem>>)
      %dma_wait3A_247 = arith.constant 0 : i32
      %dma_wait3A_248 = tpu.memref_slice %arg4[%add3A, %dma_wait3A_247] : memref<4x2048xf32, #tpu.memory_space<hbm>> -> memref<1x2048xf32, #tpu.memory_space<hbm>>
      %dma_wait3A_249 = tpu.memref_squeeze %dma_wait3A_248 : memref<1x2048xf32, #tpu.memory_space<hbm>> -> memref<2048xf32, #tpu.memory_space<hbm>>
      %dma_wait3A_250 = arith.constant 0 : i32
      %dma_wait3A_251 = tpu.memref_slice %arg4[%add3A, %dma_wait3A_250] : memref<4x2048xf32, #tpu.memory_space<hbm>> -> memref<1x2048xf32, #tpu.memory_space<hbm>>
      %dma_wait3A_252 = tpu.memref_squeeze %dma_wait3A_251 : memref<1x2048xf32, #tpu.memory_space<hbm>> -> memref<2048xf32, #tpu.memory_space<hbm>>
      tpu.wait_dma2 semaphore(%arg12 : memref<!tpu.dma_semaphore, #tpu.memory_space<semaphore_mem>>) src(%arg7 : memref<2048xf32, #tpu.memory_space<vmem>>) dst(%dma_wait3A_252 : memref<2048xf32, #tpu.memory_space<hbm>>)
    } else {
    }
    return
  }
}

module attributes {stable_mosaic.version = 14 : i64} {
  func.func @_proj_kernel(%arg0: i32, %arg1: i32, %arg2: memref<1024x2048xbf16, #tpu.memory_space<vmem>>, %arg3: memref<1024x2xbf16, #tpu.memory_space<vmem>>, %arg4: memref<1x512x2048xf32, #tpu.memory_space<vmem>>, %arg5: memref<1x512x2xf32, #tpu.memory_space<vmem>>) attributes {dimension_semantics = [#tpu.dimension_semantics<arbitrary>, #tpu.dimension_semantics<arbitrary>], iteration_bounds = array<i64: 4, 4>, scalar_prefetch = 0 : i64, scratch_operands = 0 : i64, tpu.core_type = #tpu.core_type<tc>, window_params = [{pipeline_mode = #tpu.pipeline_mode<synchronous>, transform_indices = @transform_0, window_bounds = array<i64: 1024, 2048>}, {pipeline_mode = #tpu.pipeline_mode<synchronous>, transform_indices = @transform_1, window_bounds = array<i64: 1024, 2>}, {transform_indices = @transform_2, window_bounds = array<i64: 1, 512, 2048>}, {transform_indices = @transform_3, window_bounds = array<i64: 1, 512, 2>}]} {
    %get3A = arith.constant 0 : index
    %get3A_0 = arith.constant 0 : index
    %get3A_1 = arith.constant 0 : index
    %get3A_2 = vector.load %arg4[%get3A, %get3A_0, %get3A_1] : memref<1x512x2048xf32, #tpu.memory_space<vmem>>, vector<1x512x2048xf32>
    %get3A_3 = vector.shape_cast %get3A_2 : vector<1x512x2048xf32> to vector<512x2048xf32>
    %convert_element_type3A = arith.truncf %get3A_3 : vector<512x2048xf32> to vector<512x2048xbf16>
    %get3A_4 = arith.constant 0 : index
    %get3A_5 = arith.constant 0 : index
    %get3A_6 = vector.load %arg2[%get3A_4, %get3A_5] : memref<1024x2048xbf16, #tpu.memory_space<vmem>>, vector<1024x2048xbf16>
    %dot_general3A = arith.constant dense<0.000000e+00> : vector<512x1024xf32>
    %dot_general3A_7 = tpu.matmul %convert_element_type3A, %get3A_6, %dot_general3A {dimension_numbers = #tpu.dot_dimension_numbers<[1], [1], [0], [0], [0, 0, 1, 0], [], []>, transpose_lhs_hint = false} : vector<512x2048xbf16>, vector<1024x2048xbf16>, vector<512x1024xf32> -> vector<512x1024xf32>
    %convert_element_type3A_8 = arith.truncf %dot_general3A_7 : vector<512x1024xf32> to vector<512x1024xbf16>
    %get3A_9 = arith.constant 0 : index
    %get3A_10 = arith.constant 0 : index
    %get3A_11 = vector.load %arg3[%get3A_9, %get3A_10] : memref<1024x2xbf16, #tpu.memory_space<vmem>>, vector<1024x2xbf16>
    %dot_general3A_12 = arith.constant dense<0.000000e+00> : vector<512x2xf32>
    %dot_general3A_13 = tpu.matmul %convert_element_type3A_8, %get3A_11, %dot_general3A_12 {dimension_numbers = #tpu.dot_dimension_numbers<[1], [0], [0], [1], [0, 0, 1, 1], [], []>, transpose_lhs_hint = false} : vector<512x1024xbf16>, vector<1024x2xbf16>, vector<512x2xf32> -> vector<512x2xf32>
    %swap3A = arith.constant 0 : index
    %swap3A_14 = arith.constant 0 : index
    %swap3A_15 = arith.constant 0 : index
    %swap3A_16 = vector.load %arg5[%swap3A, %swap3A_14, %swap3A_15] : memref<1x512x2xf32, #tpu.memory_space<vmem>>, vector<1x512x2xf32>
    %swap3A_17 = vector.shape_cast %swap3A_16 : vector<1x512x2xf32> to vector<512x2xf32>
    %swap3A_18 = vector.shape_cast %dot_general3A_13 : vector<512x2xf32> to vector<1x512x2xf32>
    tpu.vector_store %arg5[%swap3A, %swap3A_14, %swap3A_15], %swap3A_18 {strides = array<i32>} : memref<1x512x2xf32, #tpu.memory_space<vmem>>, vector<1x512x2xf32>,
    return
  }
  func.func @transform_0(%arg0: i32, %arg1: i32) -> (i32, i32) {
    %c0_i32 = arith.constant 0 : i32
    %c0_i32_0 = arith.constant 0 : i32
    %c0_i32_1 = arith.constant 0 : i32
    return %c0_i32, %c0_i32_0 : i32, i32
  }
  func.func @transform_1(%arg0: i32, %arg1: i32) -> (i32, i32) {
    %c0_i32 = arith.constant 0 : i32
    %c0_i32_0 = arith.constant 0 : i32
    %c0_i32_1 = arith.constant 0 : i32
    return %c0_i32, %c0_i32_0 : i32, i32
  }
  func.func @transform_2(%arg0: i32, %arg1: i32) -> (i32, i32, i32) {
    %c0_i32 = arith.constant 0 : i32
    %c0_i32_0 = arith.constant 0 : i32
    return %arg0, %arg1, %c0_i32 : i32, i32, i32
  }
  func.func @transform_3(%arg0: i32, %arg1: i32) -> (i32, i32, i32) {
    %c0_i32 = arith.constant 0 : i32
    %c0_i32_0 = arith.constant 0 : i32
    return %arg0, %arg1, %c0_i32 : i32, i32, i32
  }
}

module attributes {stable_mosaic.version = 14 : i64} {
  func.func @_out_kernel(%arg0: i32, %arg1: i32, %arg2: memref<4xi32, #tpu.memory_space<smem>>, %arg3: memref<1x256x1xf32, #tpu.memory_space<vmem>>, %arg4: memref<1x256x1xf32, #tpu.memory_space<vmem>>, %arg5: memref<1x256x1xf32, #tpu.memory_space<vmem>>, %arg6: memref<1x1x2048xf32, #tpu.memory_space<vmem>>, %arg7: memref<1x1x2048xf32, #tpu.memory_space<vmem>>, %arg8: memref<1x1x2048xf32, #tpu.memory_space<vmem>>, %arg9: memref<1x256x2048xf32, #tpu.memory_space<vmem>>) attributes {dimension_semantics = [#tpu.dimension_semantics<arbitrary>, #tpu.dimension_semantics<arbitrary>], iteration_bounds = array<i64: 4, 8>, scalar_prefetch = 0 : i64, scratch_operands = 0 : i64, tpu.core_type = #tpu.core_type<tc>, window_params = [{transform_indices = @transform_0, window_bounds = array<i64: 4>}, {transform_indices = @transform_1, window_bounds = array<i64: 1, 256, 1>}, {transform_indices = @transform_2, window_bounds = array<i64: 1, 256, 1>}, {transform_indices = @transform_3, window_bounds = array<i64: 1, 256, 1>}, {transform_indices = @transform_4, window_bounds = array<i64: 1, 1, 2048>}, {transform_indices = @transform_5, window_bounds = array<i64: 1, 1, 2048>}, {transform_indices = @transform_6, window_bounds = array<i64: 1, 1, 2048>}, {transform_indices = @transform_7, window_bounds = array<i64: 1, 256, 2048>}]} {
    %get3A = arith.index_cast %arg0 : i32 to index
    %get3A_0 = memref.load %arg2[%get3A] : memref<4xi32, #tpu.memory_space<smem>>
    %mul3A = arith.constant 2 : i32
    %mul3A_1 = arith.muli %mul3A, %get3A_0 : i32
    %convert_element_type3A = arith.sitofp %mul3A_1 : i32 to f32
    %div3A = arith.constant 5.000000e+00 : f32
    %div3A_2 = arith.divf %div3A, %convert_element_type3A : f32
    %get3A_3 = arith.constant 0 : index
    %get3A_4 = arith.constant 0 : index
    %get3A_5 = arith.constant 0 : index
    %get3A_6 = vector.load %arg3[%get3A_3, %get3A_4, %get3A_5] : memref<1x256x1xf32, #tpu.memory_space<vmem>>, vector<1x256x1xf32>
    %get3A_7 = vector.shape_cast %get3A_6 : vector<1x256x1xf32> to vector<256x1xf32>
    %get3A_8 = arith.constant 0 : index
    %get3A_9 = arith.constant 0 : index
    %get3A_10 = arith.constant 0 : index
    %get3A_11 = vector.load %arg4[%get3A_8, %get3A_9, %get3A_10] : memref<1x256x1xf32, #tpu.memory_space<vmem>>, vector<1x256x1xf32>
    %get3A_12 = vector.shape_cast %get3A_11 : vector<1x256x1xf32> to vector<256x1xf32>
    %get3A_13 = arith.constant 0 : index
    %get3A_14 = arith.constant 0 : index
    %get3A_15 = arith.constant 0 : index
    %get3A_16 = vector.load %arg5[%get3A_13, %get3A_14, %get3A_15] : memref<1x256x1xf32, #tpu.memory_space<vmem>>, vector<1x256x1xf32>
    %get3A_17 = vector.shape_cast %get3A_16 : vector<1x256x1xf32> to vector<256x1xf32>
    %get3A_18 = arith.constant 0 : index
    %get3A_19 = arith.constant 0 : index
    %get3A_20 = arith.constant 0 : index
    %get3A_21 = vector.load %arg6[%get3A_18, %get3A_19, %get3A_20] : memref<1x1x2048xf32, #tpu.memory_space<vmem>>, vector<1x1x2048xf32>
    %get3A_22 = vector.shape_cast %get3A_21 : vector<1x1x2048xf32> to vector<1x2048xf32>
    %get3A_23 = arith.constant 0 : index
    %get3A_24 = arith.constant 0 : index
    %get3A_25 = arith.constant 0 : index
    %get3A_26 = vector.load %arg7[%get3A_23, %get3A_24, %get3A_25] : memref<1x1x2048xf32, #tpu.memory_space<vmem>>, vector<1x1x2048xf32>
    %get3A_27 = vector.shape_cast %get3A_26 : vector<1x1x2048xf32> to vector<1x2048xf32>
    %get3A_28 = arith.constant 0 : index
    %get3A_29 = arith.constant 0 : index
    %get3A_30 = arith.constant 0 : index
    %get3A_31 = vector.load %arg8[%get3A_28, %get3A_29, %get3A_30] : memref<1x1x2048xf32, #tpu.memory_space<vmem>>, vector<1x1x2048xf32>
    %get3A_32 = vector.shape_cast %get3A_31 : vector<1x1x2048xf32> to vector<1x2048xf32>
    %mul3A_33 = arith.constant 256 : i32
    %mul3A_34 = arith.muli %arg1, %mul3A_33 : i32
    %iota3A = tpu.iota {dimensions = array<i32: 0>} : vector<256x1xi32>
    %add3A = vector.broadcast %mul3A_34 : i32 to vector<256x1xi32>
    %add3A_35 = arith.addi %add3A, %iota3A : vector<256x1xi32>
    %iota3A_36 = tpu.iota {dimensions = array<i32: 1>} : vector<1x2048xi32>
    %add3A_37 = vector.broadcast %get3A_7 : vector<256x1xf32> to vector<256x2048xf32>
    %add3A_38 = vector.broadcast %get3A_27 : vector<1x2048xf32> to vector<256x2048xf32>
    %add3A_39 = arith.addf %add3A_37, %add3A_38 : vector<256x2048xf32>
    %mul3A_40 = arith.constant 6.250000e-02 : f32
    %mul3A_41 = vector.broadcast %mul3A_40 : f32 to vector<256x2048xf32>
    %mul3A_42 = arith.mulf %add3A_39, %mul3A_41 : vector<256x2048xf32>
    %max3A = arith.constant 0.000000e+00 : f32
    %max3A_43 = vector.broadcast %max3A : f32 to vector<256x2048xf32>
    %max3A_44 = arith.maximumf %mul3A_42, %max3A_43 : vector<256x2048xf32>
    %lt3A = vector.broadcast %get3A_0 : i32 to vector<256x1xi32>
    %lt3A_45 = arith.cmpi slt, %add3A_35, %lt3A : vector<256x1xi32>
    %gt3A = arith.constant 0.000000e+00 : f32
    %gt3A_46 = vector.broadcast %gt3A : f32 to vector<1x2048xf32>
    %gt3A_47 = arith.cmpf ogt, %get3A_32, %gt3A_46 : vector<1x2048xf32>
    %and3A = vector.broadcast %lt3A_45 : vector<256x1xi1> to vector<256x2048xi1>
    %and3A_48 = vector.broadcast %gt3A_47 : vector<1x2048xi1> to vector<256x2048xi1>
    %and3A_49 = arith.andi %and3A, %and3A_48 : vector<256x2048xi1>
    %jit3A = arith.constant 0.000000e+00 : f32
    %broadcast_in_dim3A = vector.broadcast %jit3A : f32 to vector<256x2048xf32>
    %select_n3A = arith.select %and3A_49, %max3A_44, %broadcast_in_dim3A : vector<256x2048xi1>, vector<256x2048xf32>
    %add3A_50 = vector.broadcast %get3A_22 : vector<1x2048xf32> to vector<256x2048xf32>
    %add3A_51 = vector.broadcast %get3A_12 : vector<256x1xf32> to vector<256x2048xf32>
    %add3A_52 = arith.addf %add3A_50, %add3A_51 : vector<256x2048xf32>
    %gt3A_53 = arith.constant 0.000000e+00 : f32
    %gt3A_54 = vector.broadcast %gt3A_53 : f32 to vector<256x2048xf32>
    %gt3A_55 = arith.cmpf ogt, %add3A_52, %gt3A_54 : vector<256x2048xf32>
    %lt3A_56 = vector.broadcast %get3A_0 : i32 to vector<1x2048xi32>
    %lt3A_57 = arith.cmpi slt, %iota3A_36, %lt3A_56 : vector<1x2048xi32>
    %and3A_58 = vector.broadcast %lt3A_57 : vector<1x2048xi1> to vector<256x2048xi1>
    %and3A_59 = arith.andi %gt3A_55, %and3A_58 : vector<256x2048xi1>
    %gt3A_60 = arith.constant 0.000000e+00 : f32
    %gt3A_61 = vector.broadcast %gt3A_60 : f32 to vector<256x1xf32>
    %gt3A_62 = arith.cmpf ogt, %get3A_17, %gt3A_61 : vector<256x1xf32>
    %and3A_63 = vector.broadcast %gt3A_62 : vector<256x1xi1> to vector<256x2048xi1>
    %and3A_64 = arith.andi %and3A_59, %and3A_63 : vector<256x2048xi1>
    %jit3A_65 = arith.constant 0.000000e+00 : f32
    %broadcast_in_dim3A_66 = vector.broadcast %jit3A_65 : f32 to vector<256x2048xf32>
    %select_n3A_67 = arith.select %and3A_64, %select_n3A, %broadcast_in_dim3A_66 : vector<256x2048xi1>, vector<256x2048xf32>
    %tanh3A = math.tanh %select_n3A_67 : vector<256x2048xf32>
    %mul3A_68 = vector.broadcast %div3A_2 : f32 to vector<256x2048xf32>
    %mul3A_69 = arith.mulf %mul3A_68, %tanh3A : vector<256x2048xf32>
    %swap3A = arith.constant 0 : index
    %swap3A_70 = arith.constant 0 : index
    %swap3A_71 = arith.constant 0 : index
    %swap3A_72 = vector.load %arg9[%swap3A, %swap3A_70, %swap3A_71] : memref<1x256x2048xf32, #tpu.memory_space<vmem>>, vector<1x256x2048xf32>
    %swap3A_73 = vector.shape_cast %swap3A_72 : vector<1x256x2048xf32> to vector<256x2048xf32>
    %swap3A_74 = vector.shape_cast %mul3A_69 : vector<256x2048xf32> to vector<1x256x2048xf32>
    tpu.vector_store %arg9[%swap3A, %swap3A_70, %swap3A_71], %swap3A_74 {strides = array<i32>} : memref<1x256x2048xf32, #tpu.memory_space<vmem>>, vector<1x256x2048xf32>,
    return
  }
  func.func @transform_0(%arg0: i32, %arg1: i32) -> i32 {
    %c0_i32 = arith.constant 0 : i32
    %c0_i32_0 = arith.constant 0 : i32
    return %c0_i32 : i32
  }
  func.func @transform_1(%arg0: i32, %arg1: i32) -> (i32, i32, i32) {
    %c0_i32 = arith.constant 0 : i32
    %c0_i32_0 = arith.constant 0 : i32
    return %arg0, %arg1, %c0_i32 : i32, i32, i32
  }
  func.func @transform_2(%arg0: i32, %arg1: i32) -> (i32, i32, i32) {
    %c0_i32 = arith.constant 0 : i32
    %c0_i32_0 = arith.constant 0 : i32
    return %arg0, %arg1, %c0_i32 : i32, i32, i32
  }
  func.func @transform_3(%arg0: i32, %arg1: i32) -> (i32, i32, i32) {
    %c0_i32 = arith.constant 0 : i32
    %c0_i32_0 = arith.constant 0 : i32
    return %arg0, %arg1, %c0_i32 : i32, i32, i32
  }
  func.func @transform_4(%arg0: i32, %arg1: i32) -> (i32, i32, i32) {
    %c0_i32 = arith.constant 0 : i32
    %c0_i32_0 = arith.constant 0 : i32
    %c0_i32_1 = arith.constant 0 : i32
    return %arg0, %c0_i32, %c0_i32_0 : i32, i32, i32
  }
  func.func @transform_5(%arg0: i32, %arg1: i32) -> (i32, i32, i32) {
    %c0_i32 = arith.constant 0 : i32
    %c0_i32_0 = arith.constant 0 : i32
    %c0_i32_1 = arith.constant 0 : i32
    return %arg0, %c0_i32, %c0_i32_0 : i32, i32, i32
  }
  func.func @transform_6(%arg0: i32, %arg1: i32) -> (i32, i32, i32) {
    %c0_i32 = arith.constant 0 : i32
    %c0_i32_0 = arith.constant 0 : i32
    %c0_i32_1 = arith.constant 0 : i32
    return %arg0, %c0_i32, %c0_i32_0 : i32, i32, i32
  }
  func.func @transform_7(%arg0: i32, %arg1: i32) -> (i32, i32, i32) {
    %c0_i32 = arith.constant 0 : i32
    %c0_i32_0 = arith.constant 0 : i32
    return %arg0, %arg1, %c0_i32 : i32, i32, i32
  }
}

</mosaic_0001>

<sc_bundles>
// kernel: kernel.5.cloned.1.call-start
scs
__scs_entry_jumppad:
0x0: {  	(pc) =	sbr.rel $0x88, $3  }
0x1: {  	(tag) =	ssettag $0x0;
	lr =	simm.s32 $0x1  }
0x2: {  	[smem:$0x3F9B] =	sst lr;
	_ =	strace $0xD0000000  }
0x3: {  	_ = 	snop  }
0x4: {  	_ = 	snop  }
0x5: {  	_ = 	snop  }
0x6: {  	_ = 	snop  }
0x7: {  	_ = 	snop  }
__scs_overlays_trampoline_lowered:
0x8: {  	[smem:$0x3FAA] =	sst s0  }
0x9: {  	[smem:$0x3FAB] =	sst s1  }
0xa: {  	[smem:$0x3FAC] =	sst s2  }
0xb: {  	[smem:$0x3FAD] =	sst s3  }
0xc: {  	[smem:$0x3FAE] =	sst s4  }
0xd: {  	[smem:$0x3FAF] =	sst s5  }
0xe: {  	[smem:$0x3FB0] =	sst s6  }
0xf: {  	[smem:$0x3FB1] =	sst s7  }
0x10: {  	[smem:$0x3FB2] =	sst s8  }
0x11: {  	[smem:$0x3FB3] =	sst s9;
	s0 =	simm.s32 @!p0 $0x0  }
0x12: {  	s1 =	sld [smem:$0x3F99];
	s0 =	simm.s32 @p0 $0x1  }
0x13: {  	[smem:$0x3FB4] =	sst s0;
	s0 =	simm.s32 @!p1 $0x0  }
0x14: {  	s2 =	sld [smem:$0x3F98];
	s0 =	simm.s32 @p1 $0x1  }
0x15: {  	[smem:$0x3FB5] =	sst s0;
	s0 =	simm.s32 @!p2 $0x0  }
0x16: {  	s3 =	sld [smem:$0x3FDB];
	s0 =	simm.s32 @p2 $0x1  }
0x17: {  	s4 =	simm.s32 $0x1BF5;
	[smem:$0x3FB7] =	sst s0  }
0x18: {  	s0 =	sld [smem:$0x3F9A];
	_ =	swait.ge [sflag:s4], $0x0  }
0x19: {  	s7 =	sld [smem:$0x3F9B]  }
0x1a: {  	s8 =	sadd.s32 $0xFFFFE003, lr  }
0x1b: {  	s9 =	sadd.s32 $0xFFFFFEF7, lr;
	s5 =	simm.s32 $0xFFFFFFFF;
	p2 =	slt.u32 s8, $0xFFFFF086  }
0x1c: {  	p1 =	slt.u32 s9, $0xF7A;
	s5 =	simm.s32 @!p2 $0x0  }
0x1d: {  	s5 =	simm.s32 @p1 $0x1;
	p0 =	seq.s32 s7, s2  }
0x1e: {  	s7 =	smul.u32 @!p0 $0xF7A, s2;
	p2 =	seq.s32 @!p0 s5, $0x0  }
0x1f: {  	s9 =	smul.u32 $0xF7A, s1;
	s8 =	simm.s32 @!p0 $0x1BF5;
	p2 =	por !p2, p0  }
0x20: {  	[sflag:s8] =	ssyncset.s32 @!p0 $0xFFFFF086;
	s6 =	sadd.s32 @!p0 s3, s7;
	s7 =	simm.s32 @!p0 $0x108  }
0x21: {  	s3 =	sadd.s32 s3, s9;
	s6 =	sadd.s32 @!p0 $0x88, s6;
	s7 =	simm.s32 @p2 $0x1082  }
0x22: {  	[simem:s7], [sflag:s8] =	dma.local @!p0 [hbm:s6], $0xF7A  }
0x23: {  	s9 =	sor.u32 $0xD0000000, s2;
	s6 =	simm.s32 $0x108;
	_ =	swait.ge @!p0 [sflag:s8], $0x0  }
0x24: {  	s3 =	sadd.s32 $0x88, s3;
	s6 =	simm.s32 @!p1 $0x1082;
	[sflag:s4] =	ssyncset.s32 $0xFFFFF086  }
0x25: {  	[simem:s6], [sflag:s4] =	dma.local [hbm:s3], $0xF7A  }
0x26: {  	[smem:$0x3F9B] =	sst s1;
	(tag) =	ssettag s2;
	_ =	strace s9  }
0x27: {  	s1 =	sld [smem:$0x3FAB]  }
0x28: {  	s2 =	sld [smem:$0x3FAC]  }
0x29: {  	s4 =	sld [smem:$0x3FAE]  }
0x2a: {  	p0 =	seq.s32 s5, $0x0;
	s5 =	sld [smem:$0x3FAF]  }
0x2b: {  	s6 =	sld [smem:$0x3FB0]  }
0x2c: {  	s7 =	sld [smem:$0x3FB1]  }
0x2d: {  	s3 =	simm.s32 $0x108;
	s8 =	sld [smem:$0x3FB2]  }
0x2e: {  	s3 =	simm.s32 @!p0 $0x1082;
	s9 =	sld [smem:$0x3FB3]  }
0x2f: {  	lr =	sadd.s32 s0, s3;
	s0 =	sld [smem:$0x3FAA]  }
0x30: {  	s3 =	sld [smem:$0x3FAD]  }
0x31: {  	[smem:$0x3FB6] =	sst s10  }
0x32: {  	s10 =	sld [smem:$0x3FB4];
	_ =	sdelay $0x3  }
0x33: {  	p0 =	seq.s32 s10, $0x1;
	s10 =	sld [smem:$0x3FB6];
	_ =	sdelay $0x3  }
0x34: {  	[smem:$0x3FB6] =	sst s10  }
0x35: {  	s10 =	sld [smem:$0x3FB5];
	_ =	sdelay $0x3  }
0x36: {  	p1 =	seq.s32 s10, $0x1;
	s10 =	sld [smem:$0x3FB6];
	_ =	sdelay $0x3  }
0x37: {  	[smem:$0x3FB6] =	sst s10  }
0x38: {  	s10 =	sld [smem:$0x3FB7]  }
0x39: {  	_ = 	snop;
	(pc) =	sbr.ind lr, $3  }
0x3a: {  	_ = 	snop  }
0x3b: {  	_ = 	snop  }
0x3c: {  	p2 =	seq.s32 s10, $0x1;
	s10 =	sld [smem:$0x3FB6]  }
0x3d: {  	_ =	shalt  }
0x3e: {  	_ =	shalt  }
0x3f: {  	_ =	shalt  }
0x40: {  	_ =	shalt  }
0x41: {  	_ =	shalt  }
0x42: {  	_ =	shalt  }
0x43: {  	_ =	shalt  }
0x44: {  	_ =	shalt  }
0x45: {  	_ =	shalt  }
0x46: {  	_ =	shalt  }
0x47: {  	_ =	shalt  }
0x48: {  	_ =	shalt  }
0x49: {  	_ =	shalt  }
0x4a: {  	_ =	shalt  }
0x4b: {  	_ =	shalt  }
0x4c: {  	_ =	shalt  }
0x4d: {  	_ =	shalt  }
0x4e: {  	_ =	shalt  }
0x4f: {  	_ =	shalt  }
0x50: {  	_ =	shalt  }
0x51: {  	_ =	shalt  }
0x52: {  	_ =	shalt  }
0x53: {  	_ =	shalt  }
0x54: {  	_ =	shalt  }
0x55: {  	_ =	shalt  }
0x56: {  	_ =	shalt  }
0x57: {  	_ =	shalt  }
0x58: {  	_ =	shalt  }
0x59: {  	_ =	shalt  }
0x5a: {  	_ =	shalt  }
0x5b: {  	_ =	shalt  }
0x5c: {  	_ =	shalt  }
0x5d: {  	_ =	shalt  }
0x5e: {  	_ =	shalt  }
0x5f: {  	_ =	shalt  }
0x60: {  	_ =	shalt  }
0x61: {  	_ =	shalt  }
0x62: {  	_ =	shalt  }
0x63: {  	_ =	shalt  }
0x64: {  	_ =	shalt  }
0x65: {  	_ =	shalt  }
0x66: {  	_ =	shalt  }
0x67: {  	_ =	shalt  }
0x68: {  	_ =	shalt  }
0x69: {  	_ =	shalt  }
0x6a: {  	_ =	shalt  }
0x6b: {  	_ =	shalt  }
0x6c: {  	_ =	shalt  }
0x6d: {  	_ =	shalt  }
0x6e: {  	_ =	shalt  }
0x6f: {  	_ =	shalt  }
0x70: {  	_ =	shalt  }
0x71: {  	_ =	shalt  }
0x72: {  	_ =	shalt  }
0x73: {  	_ =	shalt  }
0x74: {  	_ =	shalt  }
0x75: {  	_ =	shalt  }
0x76: {  	_ =	shalt  }
0x77: {  	_ =	shalt  }
0x78: {  	_ =	shalt  }
0x79: {  	_ =	shalt  }
0x7a: {  	_ =	shalt  }
0x7b: {  	_ =	shalt  }
0x7c: {  	_ =	shalt  }
0x7d: {  	_ =	shalt  }
0x7e: {  	_ =	shalt  }
0x7f: {  	_ =	shalt  }
0x80: {  	_ =	shalt  }
0x81: {  	_ =	shalt  }
0x82: {  	_ =	shalt  }
0x83: {  	_ =	shalt  }
0x84: {  	_ =	shalt  }
0x85: {  	_ =	shalt  }
0x86: {  	_ =	shalt  }
0x87: {  	_ =	shalt  }
.Lfunc_end0:
.L_simem_size_0:
called_computation_lowered:
.L_overlay_start_0:
0x88: {  	s2 =	sld [smem:$0x3FD9]  }
0x89: {  	s3 =	sld [smem:$0x3FFE];
	_ =	sdelay $0x1  }
0x8a: {  	s1 =	srdreg.scid  }
0x8b: {  	s0 =	sand.u32 $0x1, s1  }
0x8c: {  	s17 =	sshll.u32 s0, $0xA;
	s2 =	sadd.s32 s3, s2  }
0x8d: {  	s2 =	sadd.s32 s2, s17  }
0x8e: {  	[smem:$0x3FC2] =	sst s2  }
0x8f: {  	_ = 	snop  }
0x90: {  	s2 =	sld [smem:$0x3FD0];
	(tm) =	ssettm $0x1  }
0x91: {  	s18 =	sld [smem:$0x3FFB];
	_ =	sdelay $0x3  }
0x92: {  	_ =	strace s18  }
0x93: {  	s3 =	sld [smem:$0x3FFC];
	_ =	sdelay $0x3  }
0x94: {  	_ =	strace s3  }
0x95: {  	s3 =	sld [smem:$0x3FFD];
	_ =	sdelay $0x3  }
0x96: {  	_ =	strace s3  }
0x97: {  	_ =	strace $0x8FFFFFFF  }
0x98: {  	s19 =	sld [smem:$0x3FDB];
	_ =	sdelay $0x1  }
0x99: {  	s4 =	simm.s32 $_scs_section_size  }
0x9a: {  	s5 =	simm.s32 $_size__tile_overlayer_lowered;
	s6 =	simm.s32 $_tile_overlayer_lowered  }
0x9b: {  	s22 =	simm.s32 $0x1BFF;
	s21 =	sshll.u32 s6, $0x1;
	s3 =	sadd.s32 s4, s19  }
0x9c: {  	s7 =	simm.s32 $0x0;
	s20 =	sshll.u32 s5, $0x1;
	s5 =	sadd.s32 s21, s3  }
0x9d: {  	[timem:s7], [sflag:s22] =	dma.local [hbm:s5], s20  }
0x9e: {  	_ =	swait.ge [sflag:s22], s20  }
0x9f: {  	s4 =	ssub.s32 $0x0, s20;
	[sflag:s22] =	ssyncset.done $0x0  }
0xa0: {  	[sflag:s22] =	ssyncadd.s32 s4;
	_ =	sdelay $0x1  }
0xa1: {  	s23 =	simm.s32 $0x1B8B  }
0xa2: {  	_ =	swait.ge [sflag:s23], $0x1  }
0xa3: {  	[sflag:s23] =	ssyncset.done $0x0  }
0xa4: {  	s25 =	simm.s32 $0x1B8E;
	s24 =	sld [smem:$0x3FFE];
	[sflag:s23] =	ssyncadd.s32 $0xFFFFFFFF  }
0xa5: {  	s26 =	simm.s32 $execute0_lowered;
	[smem:$0x3FD2] =	sst s25  }
0xa6: {  	s5 =	sshll.u32 s26, $0x1;
	_ =	strace $0x80000046;
	[dreg:$0x1] =	wrdreg $0xFFFFFFFF  }
0xa7: {  	s28 =	simm.s32 $_size_execute0_lowered;
	s3 =	sadd.s32 s3, s5;
	[dreg:$0x0] =	wrdreg $0x0  }
0xa8: {  	s5 =	sshll.u32 s28, $0x1;
	[dreg:$0x2] =	wrdreg s3  }
0xa9: {  	[dreg:$0x3] =	wrdreg s5  }
0xaa: {  	[dreg:$0x4] =	wrdreg $0xC0  }
0xab: {  	_ =	task [dreg:s7], $0x5FFFF  }
0xac: {  	[dreg:$0x1] =	wrdreg $0xFFFFFFFF  }
0xad: {  	[dreg:$0x0] =	wrdreg $0x60  }
0xae: {  	[dreg:$0x2] =	wrdreg s24  }
0xaf: {  	[dreg:$0x3] =	wrdreg s2  }
0xb0: {  	[dreg:$0x4] =	wrdreg $0x9  }
0xb1: {  	_ =	task.clear_ibuf [dreg:s7], $0x5FFFF;
	_ =	strace $0x90000046  }
0xb2: {  	s29 =	simm.s32 $0x9;
	_ =	strace $0x80000048  }
0xb3: {  	_ =	swait.ge [sflag:s29], $0x1  }
0xb4: {  	[sflag:s29] =	ssyncadd.s32 $0xFFFFFFFF  }
0xb5: {  	_ =	strace $0x90000048  }
0xb6: {  	_ =	sfence  }
0xb7: {  	s30 =	sld [smem:$0x0];
	_ =	sdelay $0x2  }
0xb8: {  	s31 =	sshll.u32 s1, $0xD;
	s1 =	sshrl.u32 s1, $0x2  }
0xb9: {  	s3 =	sand.u32 $0x4000, s31;
	s1 =	sadd.s32 s1, s30  }
0xba: {  	s0 =	sor.u32 s3, s0;
	s1 =	sshll.u32 s1, $0x11  }
0xbb: {  	s0 =	sor.u32 s1, s0  }
0xbc: {  	s0 =	sadd.s32 $0x8F2B, s0  }
0xbd: {  	[sflag:s0] =	ssyncadd.remote.s32 $0x1  }
0xbe: {  	_ =	sfence.sel $0xFFFF  }
0xbf: {  	[dreg:$0x0] =	wrdreg $0xFFFFFFFF;
	(pc) =	sbr.abs _section_cstart, $3  }
0xc0: {  	[dreg:$0x1] =	wrdreg $0xFFFFFFFF  }
0xc1: {  	_ =	task.clear_ibuf [dreg:s7], $0x2FFFF;
	_ =	strace $0x9FFFFFFF  }
0xc2: {  	(tm) =	ssettm $0x7FFFFFFF  }
0xc3: {  	_ =	shalt  }
tec
execute0_lowered:
.L_overlay_start_1:
0x0: {  	(tag) =	ssettag $0x1  }
0x1: {  	s0 =	srdreg.scid  }
0x2: {  	s6 =	sand.u32 $0x1, s0  }
0x3: {  	s1 =	stileid.u32;
	s3 =	sshll.u32 s6, $0x4  }
0x4: {  	s7 =	sor.u32 s1, s3  }
0x5: {  	p0 =	sgt.u32 s7, $0x3  }
.Ltmp0:
0x6: {  	_ = 	snop;
	(pc) =	sbr.rel @p0 .LBB2_17-.Ltmp0, $4  }
0x7: {  	s5 =	rddreg [dreg:$0x0]  }
0x8: {  	s4 =	rddreg [dreg:$0x1];
	s2 =	simm.s32 $0x0  }
0x9: {  	[smem:$0x7FF] =	sst s2  }
0xa: {  	s0 =	rddreg [dreg:$0x2];
	_ =	strace $0x80000047  }
0xb: {  	s3 =	sadd.s32 $0xE00, s5;
	s8 =	sshll.u32 s1, $0x4;
	s6 =	ssub.s32 $0x2, s6  }
0xc: {  	s9 =	sor.u32 $0x4, s1;
	v1 =	vmov s7;
	s7 =	simm.s32 $0x1880;
	s11 =	simm.s32 $0x1000  }
0xd: {  	v0 =	vlaneseq.u32;
	s31 =	sadd.s32 s8, s5;
	s10 =	sshrl.u32 s6, $0x1;
	s4 =	sadd.s32 s4, s8  }
0xe: {  	v3 =	vimm.f32 $0.0e+00;
	v2 =	vmov s9;
	vm1 =	veq.s32 v1, v0;
	s8 =	simm.s32 $0x1;
	s9 =	simm.s32 $0x80;
	s6 =	ssub.s32 s6, s10  }
0xf: {  	v1 =	vimm.s32 $0x0;
	s5 =	sadd.s32 $0x1000, s31;
	vm0 =	veq.s32 v2, v0;
	s10 =	simm.s32 $0x200;
	v2 =	vmul.u32 $0xFFFFFFFF, v0;
	s6 =	smax.u32 s6, $0x1  }
.LBB2_2:
0x10: {  	s12 =	simm.s32 $0x0  }
0x11: {  	[tilespmem:s7], [sflag:$0x1] =	stream.linear.gather [hbm4b:s3+s12], $0x80, $0x38;
	[tilespmem:$0x1A00] =	vst v63  }
0x12: {  	_ =	swait.ge [sflag:s8], $0x80  }
0x13: {  	[sflag:s8] =	ssyncset.done $0x0  }
0x14: {  	[sflag:s8] =	ssyncadd.s32 $0xFFFFFF80  }
0x15: {  	[tilespmem:s12], [sflag:$0x1] =	stream.strided.gather [hbm4b:s4+s9], $0x800, s10, s9, $0x38;
	[tilespmem:$0x1A00] =	vst v63  }
0x16: {  	_ =	swait.ge [sflag:s8], $0x800  }
0x17: {  	[sflag:s8] =	ssyncset.done $0x0  }
0x18: {  	[sflag:s8] =	ssyncadd.s32 $0xFFFFF800  }
0x19: {  	v6 =	vld [tilespmem:$0x1880];
	_ =	sdelay $0x4  }
0x1a: {  	v4 =	vnsel vm1, $0x80000000, v6  }
0x1b: {  	[tilespmem:$0x1800] =	vst v4  }
0x1c: {  	[tilespmem:$0x1810] =	vst v4  }
0x1d: {  	v5 =	vld [tilespmem:$0x1801];
	_ =	sdelay $0x4  }
0x1e: {  	vm2 =	vgt.s32 v4, v5  }
0x1f: {  	v4 =	vsel vm2, v4, v5  }
0x20: {  	[tilespmem:$0x1800] =	vst v4  }
0x21: {  	[tilespmem:$0x1810] =	vst v4  }
0x22: {  	v5 =	vld [tilespmem:$0x1802];
	_ =	sdelay $0x4  }
0x23: {  	vm2 =	vgt.s32 v4, v5  }
0x24: {  	v4 =	vsel vm2, v4, v5  }
0x25: {  	[tilespmem:$0x1800] =	vst v4  }
0x26: {  	[tilespmem:$0x1810] =	vst v4  }
0x27: {  	v5 =	vld [tilespmem:$0x1804];
	_ =	sdelay $0x4  }
0x28: {  	vm2 =	vgt.s32 v4, v5  }
0x29: {  	v4 =	vsel vm2, v4, v5  }
0x2a: {  	[tilespmem:$0x1800] =	vst v4  }
0x2b: {  	v6 =	vnsel vm0, $0x80000000, v6;
	[tilespmem:$0x1810] =	vst v4  }
0x2c: {  	v5 =	vld [tilespmem:$0x1808];
	[tilespmem:$0x1800] =	vst v6  }
0x2d: {  	[tilespmem:$0x1810] =	vst v6  }
0x2e: {  	v7 =	vld [tilespmem:$0x1801];
	_ =	sdelay $0x4  }
0x2f: {  	vm2 =	vgt.s32 v6, v7  }
0x30: {  	v6 =	vsel vm2, v6, v7  }
0x31: {  	[tilespmem:$0x1800] =	vst v6  }
0x32: {  	[tilespmem:$0x1810] =	vst v6  }
0x33: {  	v7 =	vld [tilespmem:$0x1802];
	_ =	sdelay $0x4  }
0x34: {  	vm2 =	vgt.s32 v6, v7  }
0x35: {  	v6 =	vsel vm2, v6, v7  }
0x36: {  	[tilespmem:$0x1800] =	vst v6  }
0x37: {  	[tilespmem:$0x1810] =	vst v6  }
0x38: {  	v7 =	vld [tilespmem:$0x1804];
	_ =	sdelay $0x4  }
0x39: {  	vm2 =	vgt.s32 v6, v7  }
0x3a: {  	v6 =	vsel vm2, v6, v7  }
0x3b: {  	[tilespmem:$0x1800] =	vst v6  }
0x3c: {  	[tilespmem:$0x1810] =	vst v6  }
0x3d: {  	v7 =	vld [tilespmem:$0x1808]  }
0x3e: {  	v8 =	vld [tilespmem:s12+$0x0];
	_ =	sdelay $0x4  }
0x3f: {  	vm2 =	vgt.s32 v6, v7;
	v9 =	vshra.s32 v8, $0x1F  }
0x40: {  	v63 =	vor.u32 s12, v0;
	v6 =	vsel vm2, v6, v7;
	v7 =	vand.u32 $0x7FFFFFFF, v9  }
0x41: {  	v7 =	vxor.u32 v8, v7;
	vm2 =	vlt.s32 v63, v6  }
0x42: {  	s12 =	simm.s32 $0x800;
	v7 =	vnsel vm2, $0x80000000, v7  }
0x43: {  	s13 =	simm.s32 $0x10;
	[tilespmem:s12+$0x0] =	vst v7  }
0x44: {  	s14 =	simm.s32 $0x20;
	s15 =	simm.s32 $0x10;
	v7 =	vld [tilespmem:s13+$0x0]  }
.LBB2_3:
0x45: {  	p0 =	sne.s32 s14, $0x7F0;
	_ =	sdelay $0x3  }
0x46: {  	v8 =	vshra.s32 v7, $0x1F  }
.Ltmp1:
0x47: {  	v9 =	vor.u32 s13, v0;
	s13 =	smov.u32 s14;
	v8 =	vand.u32 $0x7FFFFFFF, v8;
	(pc) =	sbr.rel @p0 .LBB2_3-.Ltmp1, $4  }
0x48: {  	vm2 =	vlt.s32 v9, v6;
	v7 =	vxor.u32 v7, v8  }
0x49: {  	s12 =	sadd.s32 $0x10, s12;
	v7 =	vnsel vm2, $0x80000000, v7  }
0x4a: {  	s15 =	sadd.s32 $0x10, s15;
	[tilespmem:s12+$0x0] =	vst v7  }
0x4b: {  	s14 =	sadd.s32 $0x10, s14;
	v7 =	vld [tilespmem:s15+$0x0]  }
0x4c: {  	_ =	sdelay $0x3  }
0x4d: {  	v8 =	vshra.s32 v7, $0x1F  }
0x4e: {  	v9 =	vor.u32 s13, v0;
	v8 =	vand.u32 $0x7FFFFFFF, v8  }
0x4f: {  	vm3 =	vgt.s32 v4, v5;
	vm2 =	vlt.s32 v9, v6;
	v7 =	vxor.u32 v7, v8  }
0x50: {  	s12 =	sadd.s32 $0x10, s12;
	v4 =	vsel vm3, v4, v5;
	v6 =	vnsel vm2, $0x80000000, v7  }
0x51: {  	v5 =	vmul.u32 $0x1999A, v4;
	[tilespmem:s12+$0x0] =	vst v6;
	v6 =	vimm.s32 $0x80000000  }
0x52: {  	v4 =	vimm.s32 $0x7FFFFFFF;
	[tilespmem:$0x1980] =	vst v6  }
0x53: {  	v5 =	vshra.s32 v5, $0x12;
	s12 =	simm.s32 $0x0;
	[tilespmem:$0x1990] =	vst v4  }
.LBB2_5:
0x54: {  	v7 =	vxor.u32 v6, v4;
	v8 =	vimm.s32 $0x0  }
0x55: {  	v9 =	vand.u32 v6, v4;
	s14 =	simm.s32 $0x0;
	v7 =	vshra.s32 v7, $0x1;
	[tilespmem:$0x1900] =	vst v8  }
0x56: {  	s13 =	simm.s32 $0x100;
	v7 =	vadd.s32 v7, v9;
	v9 =	vld [tilespmem:s14+$0x800]  }
.LBB2_6:
0x57: {  	p0 =	sne.s32 s13, $0x1F00;
	v10 =	vld [tilespmem:s14+$0x810]  }
0x58: {  	v11 =	vld [tilespmem:s14+$0x820];
	_ =	sdelay $0x1  }
0x59: {  	v12 =	vld [tilespmem:s14+$0x830];
	_ =	sdelay $0x1  }
0x5a: {  	vm2 =	vgt.s32 v9, v7;
	vm3 =	vgt.s32 v10, v7  }
0x5b: {  	v9 =	vsel vm2, $0x1, v1;
	v10 =	vsel vm3, $0x1, v1;
	vm2 =	vgt.s32 v11, v7  }
0x5c: {  	v9 =	vadd.s32 v9, v10;
	v10 =	vsel vm2, $0x1, v1  }
.Ltmp2:
0x5d: {  	v9 =	vadd.s32 v10, v9;
	vm2 =	vgt.s32 v12, v7;
	(pc) =	sbr.rel @p0 .LBB2_6-.Ltmp2, $4  }
0x5e: {  	v10 =	vsel vm2, $0x1, v1;
	v8 =	vadd.s32 v8, v9  }
0x5f: {  	v8 =	vadd.s32 v10, v8  }
0x60: {  	s14 =	sshra.s32 s13, $0x2;
	[tilespmem:$0x1900] =	vst v8  }
0x61: {  	s13 =	sadd.s32 $0x100, s13;
	v9 =	vld [tilespmem:s14+$0x800]  }
0x62: {  	v10 =	vld [tilespmem:s14+$0x810]  }
0x63: {  	v11 =	vld [tilespmem:s14+$0x820];
	_ =	sdelay $0x1  }
0x64: {  	v12 =	vld [tilespmem:s14+$0x830];
	_ =	sdelay $0x1  }
0x65: {  	vm2 =	vgt.s32 v9, v7;
	vm3 =	vgt.s32 v10, v7  }
0x66: {  	v9 =	vsel vm2, $0x1, v1;
	vm2 =	vgt.s32 v11, v7;
	v10 =	vsel vm3, $0x1, v1  }
0x67: {  	v58 =	vsel vm2, $0x1, v1;
	v9 =	vadd.s32 v9, v10  }
0x68: {  	vm2 =	vgt.s32 v12, v7;
	v9 =	vadd.s32 v58, v9  }
0x69: {  	v59 =	vsel vm2, $0x1, v1;
	v8 =	vadd.s32 v8, v9  }
0x6a: {  	v8 =	vadd.s32 v59, v8  }
0x6b: {  	[tilespmem:$0x1800] =	vst v8  }
0x6c: {  	[tilespmem:$0x1810] =	vst v8  }
0x6d: {  	v60 =	vld [tilespmem:$0x1801];
	_ =	sdelay $0x4  }
0x6e: {  	v9 =	vadd.s32 v8, v60  }
0x6f: {  	[tilespmem:$0x1800] =	vst v9  }
0x70: {  	[tilespmem:$0x1810] =	vst v9  }
0x71: {  	v61 =	vld [tilespmem:$0x1802];
	_ =	sdelay $0x4  }
0x72: {  	v9 =	vadd.s32 v9, v61  }
0x73: {  	[tilespmem:$0x1800] =	vst v9  }
0x74: {  	[tilespmem:$0x1810] =	vst v9  }
0x75: {  	v62 =	vld [tilespmem:$0x1804];
	_ =	sdelay $0x4  }
0x76: {  	v9 =	vadd.s32 v9, v62  }
0x77: {  	[tilespmem:$0x1800] =	vst v9  }
0x78: {  	[tilespmem:$0x1810] =	vst v9  }
0x79: {  	v63 =	vld [tilespmem:$0x1808];
	_ =	sdelay $0x2  }
0x7a: {  	s12 =	sadd.s32 $0x1, s12  }
0x7b: {  	p0 =	sne.s32 s12, $0x21  }
.Ltmp3:
0x7c: {  	v9 =	vadd.s32 v9, v63;
	(pc) =	sbr.rel @p0 .LBB2_5-.Ltmp3, $4  }
0x7d: {  	vm2 =	vlt.s32 v9, v5  }
0x7e: {  	[tilespmem:$0x1900] =	vst v8;
	v6 =	vsel vm2, v6, v7  }
0x7f: {  	v4 =	vsel vm2, v7, v4;
	[tilespmem:$0x1980] =	vst v6  }
0x80: {  	[tilespmem:$0x1990] =	vst v4  }
0x81: {  	v6 =	vimm.s32 $0x0  }
0x82: {  	s13 =	simm.s32 $0x0;
	[tilespmem:$0x1900] =	vst v6  }
0x83: {  	s12 =	simm.s32 $0x100;
	v7 =	vld [tilespmem:s13+$0x800]  }
.LBB2_9:
0x84: {  	p0 =	sne.s32 s12, $0x1F00;
	v8 =	vld [tilespmem:s13+$0x810]  }
0x85: {  	v9 =	vld [tilespmem:s13+$0x820];
	_ =	sdelay $0x1  }
0x86: {  	v10 =	vld [tilespmem:s13+$0x830];
	_ =	sdelay $0x1  }
0x87: {  	vm2 =	vgt.s32 v7, v4;
	vm3 =	vgt.s32 v8, v4  }
0x88: {  	v7 =	vsel vm2, $0x1, v1;
	v8 =	vsel vm3, $0x1, v1;
	vm2 =	vgt.s32 v9, v4  }
0x89: {  	v7 =	vadd.s32 v7, v8;
	v8 =	vsel vm2, $0x1, v1  }
.Ltmp4:
0x8a: {  	v7 =	vadd.s32 v8, v7;
	vm2 =	vgt.s32 v10, v4;
	(pc) =	sbr.rel @p0 .LBB2_9-.Ltmp4, $4  }
0x8b: {  	v8 =	vsel vm2, $0x1, v1;
	v6 =	vadd.s32 v6, v7  }
0x8c: {  	v6 =	vadd.s32 v8, v6  }
0x8d: {  	s13 =	sshra.s32 s12, $0x2;
	[tilespmem:$0x1900] =	vst v6  }
0x8e: {  	s12 =	sadd.s32 $0x100, s12;
	v7 =	vld [tilespmem:s13+$0x800]  }
0x8f: {  	v8 =	vld [tilespmem:s13+$0x810]  }
0x90: {  	v9 =	vld [tilespmem:s13+$0x820];
	_ =	sdelay $0x1  }
0x91: {  	v10 =	vld [tilespmem:s13+$0x830];
	_ =	sdelay $0x1  }
0x92: {  	vm2 =	vgt.s32 v7, v4;
	vm3 =	vgt.s32 v8, v4  }
0x93: {  	v7 =	vsel vm2, $0x1, v1;
	vm2 =	vgt.s32 v9, v4;
	v8 =	vsel vm3, $0x1, v1  }
0x94: {  	v7 =	vadd.s32 v7, v8;
	v8 =	vsel vm2, $0x1, v1  }
0x95: {  	vm2 =	vgt.s32 v10, v4;
	v7 =	vadd.s32 v8, v7  }
0x96: {  	v8 =	vsel vm2, $0x1, v1;
	v6 =	vadd.s32 v6, v7  }
0x97: {  	v6 =	vadd.s32 v8, v6  }
0x98: {  	[tilespmem:$0x1800] =	vst v6  }
0x99: {  	[tilespmem:$0x1810] =	vst v6  }
0x9a: {  	v7 =	vld [tilespmem:$0x1801];
	_ =	sdelay $0x4  }
0x9b: {  	v7 =	vadd.s32 v6, v7  }
0x9c: {  	[tilespmem:$0x1800] =	vst v7  }
0x9d: {  	[tilespmem:$0x1810] =	vst v7  }
0x9e: {  	v8 =	vld [tilespmem:$0x1802];
	_ =	sdelay $0x4  }
0x9f: {  	v7 =	vadd.s32 v7, v8  }
0xa0: {  	[tilespmem:$0x1800] =	vst v7  }
0xa1: {  	[tilespmem:$0x1810] =	vst v7  }
0xa2: {  	v8 =	vld [tilespmem:$0x1804];
	_ =	sdelay $0x4  }
0xa3: {  	v7 =	vadd.s32 v7, v8  }
0xa4: {  	[tilespmem:$0x1800] =	vst v7  }
0xa5: {  	[tilespmem:$0x1810] =	vst v7  }
0xa6: {  	v8 =	vld [tilespmem:$0x1808];
	_ =	sdelay $0x3  }
0xa7: {  	[tilespmem:$0x1900] =	vst v6;
	v6 =	vimm.s32 $0x0  }
0xa8: {  	[tilespmem:$0x1980] =	vst v6;
	v8 =	vadd.s32 v8, v7;
	v7 =	vimm.s32 $0x801  }
0xa9: {  	s12 =	simm.s32 $0x0;
	v8 =	vsub.s32 v5, v8;
	[tilespmem:$0x1990] =	vst v7;
	v5 =	vimm.s32 $0x0  }
.LBB2_11:
0xaa: {  	v9 =	vadd.s32 v5, v7  }
0xab: {  	[tilespmem:$0x1900] =	vst v6;
	s13 =	simm.s32 $0x800;
	v9 =	vshra.s32 v9, $0x1  }
0xac: {  	s14 =	simm.s32 $0x10;
	s15 =	simm.s32 $0x0;
	v11 =	vimm.s32 $0x0;
	v12 =	vld [tilespmem:s13+$0x0];
	v10 =	vadd.s32 v2, v9  }
.LBB2_12:
0xad: {  	p0 =	sne.s32 s14, $0x7F0;
	_ =	sdelay $0x2  }
0xae: {  	v13 =	vmov s15;
	s15 =	smov.u32 s14  }
0xaf: {  	vm3 =	vlt.s32 v13, v10;
	vm2 =	veq.s32 v12, v4  }
.Ltmp5:
0xb0: {  	vm2 =	vmand vm3, vm2;
	(pc) =	sbr.rel @p0 .LBB2_12-.Ltmp5, $4  }
0xb1: {  	v12 =	vsel vm2, $0x1, v1  }
0xb2: {  	v11 =	vadd.s32 v12, v11  }
0xb3: {  	s13 =	sadd.s32 $0x10, s13;
	[tilespmem:$0x1900] =	vst v11  }
0xb4: {  	s14 =	sadd.s32 $0x10, s14;
	v12 =	vld [tilespmem:s13+$0x0]  }
0xb5: {  	_ =	sdelay $0x2  }
0xb6: {  	v13 =	vmov s15  }
0xb7: {  	vm3 =	vlt.s32 v13, v10;
	vm2 =	veq.s32 v12, v4  }
0xb8: {  	vm2 =	vmand vm3, vm2  }
0xb9: {  	v10 =	vsel vm2, $0x1, v1  }
0xba: {  	v10 =	vadd.s32 v10, v11  }
0xbb: {  	[tilespmem:$0x1800] =	vst v10  }
0xbc: {  	[tilespmem:$0x1810] =	vst v10  }
0xbd: {  	v11 =	vld [tilespmem:$0x1801];
	_ =	sdelay $0x4  }
0xbe: {  	v11 =	vadd.s32 v10, v11  }
0xbf: {  	[tilespmem:$0x1800] =	vst v11  }
0xc0: {  	[tilespmem:$0x1810] =	vst v11  }
0xc1: {  	v60 =	vld [tilespmem:$0x1802];
	_ =	sdelay $0x4  }
0xc2: {  	v11 =	vadd.s32 v11, v60  }
0xc3: {  	[tilespmem:$0x1800] =	vst v11  }
0xc4: {  	[tilespmem:$0x1810] =	vst v11  }
0xc5: {  	v61 =	vld [tilespmem:$0x1804];
	_ =	sdelay $0x4  }
0xc6: {  	v11 =	vadd.s32 v11, v61  }
0xc7: {  	[tilespmem:$0x1800] =	vst v11  }
0xc8: {  	[tilespmem:$0x1810] =	vst v11  }
0xc9: {  	v62 =	vld [tilespmem:$0x1808];
	_ =	sdelay $0x1  }
0xca: {  	vm2 =	vgt.s32 v9, $0x800  }
0xcb: {  	s12 =	sadd.s32 $0x1, s12;
	v63 =	vsel vm2, $0x1, v1  }
0xcc: {  	p0 =	sne.s32 s12, $0xD;
	v11 =	vadd.s32 v63, v11  }
.Ltmp6:
0xcd: {  	v11 =	vadd.s32 v62, v11;
	(pc) =	sbr.rel @p0 .LBB2_11-.Ltmp6, $4  }
0xce: {  	vm2 =	vgt.s32 v11, v8  }
0xcf: {  	[tilespmem:$0x1900] =	vst v10;
	v5 =	vsel vm2, v5, v9  }
0xd0: {  	v7 =	vsel vm2, v9, v7;
	[tilespmem:$0x1980] =	vst v5  }
0xd1: {  	[tilespmem:$0x1990] =	vst v7  }
0xd2: {  	s12 =	simm.s32 $0x800  }
0xd3: {  	v6 =	vld [tilespmem:s12+$0x0];
	_ =	sdelay $0x2  }
0xd4: {  	s31 =	simm.s32 $0x0  }
0xd5: {  	v7 =	vor.u32 s31, v0  }
0xd6: {  	vm3 =	vlt.s32 v7, v5;
	vm2 =	veq.s32 v6, v4  }
0xd7: {  	vm4 =	vgt.s32 v6, v4;
	vm2 =	vmand vm3, vm2  }
0xd8: {  	vm2 =	vmor vm4, vm2  }
0xd9: {  	s12 =	simm.s32 $0x1000;
	v6 =	vsel vm2, $0x3F800000, v3  }
0xda: {  	s13 =	simm.s32 $0x810;
	[tilespmem:s12+$0x0] =	vst v6  }
0xdb: {  	s14 =	simm.s32 $0x10;
	s15 =	simm.s32 $0x20;
	v6 =	vld [tilespmem:s13+$0x0]  }
.LBB2_15:
0xdc: {  	p0 =	sne.s32 s15, $0x7F0;
	_ =	sdelay $0x2  }
0xdd: {  	v7 =	vor.u32 s14, v0;
	s14 =	smov.u32 s15  }
0xde: {  	vm3 =	vlt.s32 v7, v5;
	vm2 =	veq.s32 v6, v4  }
.Ltmp7:
0xdf: {  	vm4 =	vgt.s32 v6, v4;
	vm2 =	vmand vm3, vm2;
	(pc) =	sbr.rel @p0 .LBB2_15-.Ltmp7, $4  }
0xe0: {  	vm2 =	vmor vm4, vm2  }
0xe1: {  	s12 =	sadd.s32 $0x10, s12;
	v6 =	vsel vm2, $0x3F800000, v3  }
0xe2: {  	s13 =	sadd.s32 $0x10, s13;
	[tilespmem:s12+$0x0] =	vst v6  }
0xe3: {  	s15 =	sadd.s32 $0x10, s15;
	v6 =	vld [tilespmem:s13+$0x0]  }
0xe4: {  	_ =	sdelay $0x2  }
0xe5: {  	v7 =	vor.u32 s14, v0  }
0xe6: {  	vm3 =	vlt.s32 v7, v5;
	vm2 =	veq.s32 v6, v4  }
0xe7: {  	vm4 =	vgt.s32 v6, v4;
	vm2 =	vmand vm3, vm2  }
0xe8: {  	s2 =	sadd.s32 $0x1, s2;
	vm2 =	vmor vm4, vm2  }
0xe9: {  	s12 =	sadd.s32 $0x10, s12;
	p0 =	sne.s32 s2, s6;
	v4 =	vsel vm2, $0x3F800000, v3  }
.Ltmp8:
0xea: {  	[tilespmem:s12+$0x0] =	vst v4;
	(pc) =	sbr.rel @p0 .LBB2_2-.Ltmp8, $4  }
0xeb: {  	[hbm4b:s5+s9] =	stream.strided.scatter [tilespmem:s11], [sflag:$0x1], $0x800, s10, s9, $0x38;
	[tilespmem:$0x1A00] =	vst v63  }
0xec: {  	_ =	swait.ge [sflag:s8], $0x800  }
0xed: {  	[sflag:s8] =	ssyncset.done $0x0  }
0xee: {  	[sflag:s8] =	ssyncadd.s32 $0xFFFFF800  }
.LBB2_17:
0xef: {  	_ =	sfence.sel $0x180000  }
0xf0: {  	[bflag:$0x0] =	sbarrier.arrive $0xFFFF  }
0xf1: {  	p0 =	sne.s32 s1, $0x0;
	_ =	strace $0x90000047  }
0xf2: {  	s0 =	sadd.s32 @!p0 $0x100000, s0;
	[bflag:$0x2] =	sbarrier.arrive $0xFFFF  }
0xf3: {  	[sflag:s0] =	ssyncadd.tile.s32 @!p0 $0x1;
	_ =	shalt  }
.Lfunc_end2:
_tile_overlayer_lowered:
.L_overlay_start_2:
0xf4: {  	(tag) =	ssettag $0x2  }
0xf5: {  	s0 =	rddreg [dreg:$0x0];
	s2 =	stileid.u32  }
0xf6: {  	s1 =	rddreg [dreg:$0x1];
	p0 =	sne.s32 s2, $0x0  }
0xf7: {  	s3 =	rddreg [dreg:$0x2];
	[bflag:$0x3] =	sbarrier.arrive $0xFFFF;
	s2 =	simm.s32 @!p0 $0x1C02  }
0xf8: {  	[timem:s3], [sflag:s2] =	dma.local @!p0 [hbm:s0], s1  }
0xf9: {  	s0 =	simm.s32 @!p0 $0x2  }
0xfa: {  	_ =	swait.ge @!p0 [sflag:s0], s1  }
0xfb: {  	s1 =	ssub.s32 @!p0 $0x0, s1;
	[sflag:s0] =	ssyncset.done @!p0 $0x0  }
0xfc: {  	[sflag:s0] =	ssyncadd.s32 @!p0 s1  }
0xfd: {  	[bflag:$0x3] =	sbarrier.arrive $0xFFFF  }
0xfe: {  	_ =	shalt  }

</sc_bundles>
